<compile_context>
chip_gen: v7x
topology: tpu7x:2x2x1
jax: 0.10.2.dev20260603
libtpu: 0.0.44.dev20260713+nightly
codegen_flags: <defaults>
</compile_context>

<pallas_src>
import functools

import jax
import jax.numpy as jnp
from jax import lax
from jax.experimental import pallas as pl
from jax.experimental.pallas import tpu as pltpu
from jax.experimental.pallas import tpu_sc as plsc

_ALPHA = 0.9
_REG = 0.1
_B = 1024
_V = 100000

_NEG_INF = float("-inf")
_BIG = 3.0e38

_NW = 32
_SC_GROUPS = 152
_CR = 32
_NCH = _SC_GROUPS * 8 // _CR
_V0 = _NW * _SC_GROUPS * 8
_CV = 1024
_JT = (_V - _V0 + _CV - 1) // _CV



def _sc_partials(xt, targets):
    mesh = plsc.VectorSubcoreMesh(core_axis_name="c", subcore_axis_name="s")

    @functools.partial(
        pl.kernel,
        out_type=jax.ShapeDtypeStruct((3, _NW, _B), jnp.float32),
        mesh=mesh,
        scratch_types=[
            pltpu.VMEM((_CR, _B), jnp.float32),
            pltpu.VMEM((_CR, _B), jnp.float32),
            pltpu.VMEM((_B,), jnp.int32),
            pltpu.VMEM((_B,), jnp.float32),
            pltpu.VMEM((_B,), jnp.float32),
            pltpu.VMEM((_B,), jnp.float32),
            pltpu.SemaphoreType.DMA,
            pltpu.SemaphoreType.DMA,
        ],
    )
    def k(x_hbm, tgt_hbm, out_hbm, buf0, buf1, tgtv, acc_s, acc_t, acc_mo,
          sem0, sem1):
        c = lax.axis_index("c")
        s = lax.axis_index("s")
        wid = s * 2 + c
        vb = wid * (8 * _SC_GROUPS)

        pltpu.sync_copy(tgt_hbm, tgtv)

        def init(jj, _):
            z = jnp.zeros((16,), jnp.float32)
            acc_s[pl.ds(jj * 16, 16)] = z
            acc_t[pl.ds(jj * 16, 16)] = z
            acc_mo[pl.ds(jj * 16, 16)] = z - _BIG
            return 0

        lax.fori_loop(0, _B // 16, init, 0)

        def process(buf, g):
            base_id = vb + _CR * g

            def jloop(jj, _):
                sl = pl.ds(jj * 16, 16)
                tg = tgtv[sl]
                sa = acc_s[sl]
                ta = acc_t[sl]
                ma = acc_mo[sl]
                for r in range(_CR):
                    xv = buf[r, sl]
                    eq = tg == (base_id + r)
                    ta = ta + jnp.where(eq, xv, 0.0)
                    ma = jnp.maximum(ma, jnp.where(eq, -_BIG, xv))
                    sa = sa + jnp.exp(xv)
                acc_s[sl] = sa
                acc_t[sl] = ta
                acc_mo[sl] = ma
                return 0

            lax.fori_loop(0, _B // 16, jloop, 0)

        def start(g, buf, sem):
            pltpu.make_async_copy(
                x_hbm.at[pl.ds(vb + _CR * g, _CR), :], buf, sem).start()

        def wait(buf, sem):
            pltpu.make_async_copy(
                x_hbm.at[pl.ds(vb, _CR), :], buf, sem).wait()

        start(0, buf0, sem0)

        def pair(jp, _):
            g0 = 2 * jp
            start(g0 + 1, buf1, sem1)
            wait(buf0, sem0)
            process(buf0, g0)

            @pl.when(g0 + 2 < _NCH)
            def _():
                start(g0 + 2, buf0, sem0)

            wait(buf1, sem1)
            process(buf1, g0 + 1)
            return 0

        lax.fori_loop(0, _NCH // 2, pair, 0)

        pltpu.sync_copy(acc_s, out_hbm.at[0, wid])
        pltpu.sync_copy(acc_t, out_hbm.at[1, wid])
        pltpu.sync_copy(acc_mo, out_hbm.at[2, wid])

    return k(xt, targets)



def _tc_stream_body(x_ref, tgt_ref, s_ref, t_ref, mo_ref):
    j = pl.program_id(0)

    @pl.when(j == 0)
    def _init():
        s_ref[...] = jnp.zeros_like(s_ref)
        t_ref[...] = jnp.zeros_like(t_ref)
        mo_ref[...] = jnp.full_like(mo_ref, _NEG_INF)

    x = x_ref[...]
    tgt = tgt_ref[...]
    ids = (_V0 // _CV + j) * _CV + jax.lax.broadcasted_iota(
        jnp.int32, (_CV, 1), 0)

    is_t = ids == tgt

    t_ref[...] += jnp.sum(jnp.where(is_t, x, 0.0), axis=0, keepdims=True)

    @pl.when(j < _JT - 1)
    def _full():
        mo_ref[...] = jnp.maximum(
            mo_ref[...], jnp.max(jnp.where(is_t, _NEG_INF, x), axis=0, keepdims=True))
        s_ref[...] += jnp.sum(jnp.exp(x), axis=0, keepdims=True)

    @pl.when(j == _JT - 1)
    def _last():
        xv = jnp.where(ids < _V, x, _NEG_INF)
        mo_ref[...] = jnp.maximum(
            mo_ref[...], jnp.max(jnp.where(is_t, _NEG_INF, xv), axis=0, keepdims=True))
        s_ref[...] += jnp.sum(jnp.exp(xv), axis=0, keepdims=True)



def _merge_body(s_ref, t_ref, mo_ref, parts_ref, loss_ref, marg_ref):
    p = parts_ref[...]
    s = s_ref[...] + jnp.sum(p[0], axis=0, keepdims=True)
    t = t_ref[...] + jnp.sum(p[1], axis=0, keepdims=True)
    mo = jnp.maximum(mo_ref[...], jnp.max(p[2], axis=0, keepdims=True))
    loss_ref[...] = jnp.log(s) - t
    marg_ref[...] = t - mo


def _finalize_body(loss_ref, m_ref, mt_ref, out_ref):
    loss = loss_ref[...]
    m = m_ref[...]
    mt = mt_ref[...]

    lt = jnp.sum((mt < m).astype(jnp.float32), axis=1, keepdims=True)
    le = jnp.sum((mt <= m).astype(jnp.float32), axis=1, keepdims=True)

    loc = (1.0 - _ALPHA) * (_B - 1)
    k_lo = float(int(loc))
    frac = loc - k_lo

    def _kth(k):
        sel = (lt <= k) & (k < le)
        return jnp.max(jnp.where(sel, m, _NEG_INF))

    v_lo = _kth(k_lo)
    v_hi = _kth(k_lo + 1.0)
    tau = v_lo + frac * (v_hi - v_lo)

    w = 1.0 / (1.0 + jnp.exp(-(m - tau)))
    margin_loss = jnp.sum(w * m) / (jnp.sum(w) + 1e-8)
    base_loss = jnp.sum(loss) * (1.0 / _B)

    res = jnp.full((1, 128), 0.0, dtype=jnp.float32)
    lane = jax.lax.broadcasted_iota(jnp.int32, (1, 128), 1)
    res = jnp.where(lane == 0, base_loss, res)
    res = jnp.where(lane == 1, -_REG * margin_loss, res)
    res = jnp.where(lane == 2, base_loss - _REG * margin_loss, res)
    out_ref[...] = res


@functools.partial(jax.jit, static_argnames=("interpret",))
def _run(outputs, targets, interpret=False):
    xt = outputs.T
    tgt = targets.astype(jnp.int32)
    tgt2d = tgt.reshape(1, _B)

    sc_parts = _sc_partials(xt, tgt)

    s_tc, t_tc, mo_tc = pl.pallas_call(
        _tc_stream_body,
        grid=(_JT,),
        in_specs=[
            pl.BlockSpec((_CV, _B), lambda j: (_V0 // _CV + j, 0)),
            pl.BlockSpec((1, _B), lambda j: (0, 0)),
        ],
        out_specs=[
            pl.BlockSpec((1, _B), lambda j: (0, 0)),
            pl.BlockSpec((1, _B), lambda j: (0, 0)),
            pl.BlockSpec((1, _B), lambda j: (0, 0)),
        ],
        out_shape=[
            jax.ShapeDtypeStruct((1, _B), jnp.float32),
            jax.ShapeDtypeStruct((1, _B), jnp.float32),
            jax.ShapeDtypeStruct((1, _B), jnp.float32),
        ],
        interpret=interpret,
    )(xt, tgt2d)

    loss, margins = pl.pallas_call(
        _merge_body,
        out_shape=[
            jax.ShapeDtypeStruct((1, _B), jnp.float32),
            jax.ShapeDtypeStruct((1, _B), jnp.float32),
        ],
        interpret=interpret,
    )(s_tc, t_tc, mo_tc, sc_parts)

    out = pl.pallas_call(
        _finalize_body,
        out_shape=jax.ShapeDtypeStruct((1, 128), jnp.float32),
        interpret=interpret,
    )(loss, margins.reshape(_B, 1), margins)

    return out[0, 0], out[0, 1], out[0, 2]


def kernel(outputs, targets):
    return _run(outputs, targets)

# --- scband reference (transcript-rebuilt; emitter-appended) ---
"""Pipeline reference for scband-margin-regularized-loss-2-15564961481340 (READ-ONLY COPY).

The authoritative reference and input builder live on the scoring server;
editing this copy changes nothing except your own understanding.
"""

import jax, jax.numpy as jnp
import numpy as np

ALPHA = 0.9
REG = 0.1
TEMP = 1.0
B = 1024
V = 100000

def setup_inputs(seed: int = 0) -> dict:
    key = jax.random.key(seed)
    k1, k2 = jax.random.split(key)
    outputs = jax.random.normal(k1, (B, V), dtype=jnp.float32)
    targets = jax.random.randint(k2, (B,), 0, V, dtype=jnp.int32)
    return {"outputs": outputs, "targets": targets}

def reference(outputs, targets):
    # base per-sample cross-entropy loss (reduction='none'), then mean
    log_probs = jax.nn.log_softmax(outputs, axis=1)
    loss_i = -jnp.take_along_axis(log_probs, targets[:, None], axis=1)[:, 0]
    base_loss = loss_i.mean()

    # margins: true logit minus max over other classes
    true_logits = jnp.take_along_axis(outputs, targets[:, None], axis=1)[:, 0]
    rows = jnp.arange(outputs.shape[0])
    tmp = outputs.at[rows, targets].set(-jnp.inf)
    max_other_logits = tmp.max(axis=1)
    margins = true_logits - max_other_logits

    # tau from detached margins (quantile with linear interpolation, same as torch)
    tau = jnp.quantile(jax.lax.stop_gradient(margins), 1.0 - ALPHA)

    weights = jax.nn.sigmoid((margins - tau) / TEMP)
    margin_loss = (weights * margins).sum() / (weights.sum() + 1e-08)
    margin_loss_final = -REG * margin_loss
    return (base_loss, margin_loss_final, base_loss - REG * margin_loss)

if __name__ == "__main__":
    import jax
    _d = setup_inputs()
    print(jax.jit(kernel)(*tuple(_d.values())))

</pallas_src>

<mosaic_0001>
#map = affine_map<(d0, d1) -> (0, 0)>
#map1 = affine_map<(d0, d1) -> (0)>
#map2 = affine_map<(d0, d1) -> (0, 0, 0)>
module attributes {stable_mosaic.version = 14 : i64} {
  func.func @k(%arg0: i32, %arg1: i32, %arg2: memref<100000x1024xf32, #tpu.memory_space<hbm>>, %arg3: memref<1024xi32, #tpu.memory_space<hbm>>, %arg4: memref<3x32x1024xf32, #tpu.memory_space<hbm>>, %arg5: memref<32x1024xf32, #tpu.memory_space<vmem>>, %arg6: memref<32x1024xf32, #tpu.memory_space<vmem>>, %arg7: memref<1024xi32, #tpu.memory_space<vmem>>, %arg8: memref<1024xf32, #tpu.memory_space<vmem>>, %arg9: memref<1024xf32, #tpu.memory_space<vmem>>, %arg10: memref<1024xf32, #tpu.memory_space<vmem>>, %arg11: memref<!tpu.dma_semaphore, #tpu.memory_space<semaphore_mem>>, %arg12: memref<!tpu.dma_semaphore, #tpu.memory_space<semaphore_mem>>) attributes {dimension_semantics = [#tpu.dimension_semantics<core_parallel>, #tpu.dimension_semantics<subcore_parallel>], iteration_bounds = array<i64: 2, 16>, scalar_prefetch = 0 : i64, scratch_operands = 8 : i64, tpu.core_type = #tpu.core_type<sc_vector_subcore>, window_params = [{transform_indices = #map}, {transform_indices = #map1}, {transform_indices = #map2}]} {
    %mul3A = arith.constant 2 : i32
    %mul3A_0 = arith.muli %arg1, %mul3A : i32
    %add3A = arith.addi %mul3A_0, %arg0 : i32
    %mul3A_1 = arith.constant 1216 : i32
    %mul3A_2 = arith.muli %add3A, %mul3A_1 : i32
    "tpu.region"() ({
      %run_scoped3A_23 = tpu.sem_alloc : memref<!tpu.dma_semaphore, #tpu.memory_space<semaphore_mem>>
      tpu.enqueue_dma source(%arg3 : memref<1024xi32, #tpu.memory_space<hbm>>) target(%arg7 : memref<1024xi32, #tpu.memory_space<vmem>>) target_semaphore(%run_scoped3A_23 : memref<!tpu.dma_semaphore, #tpu.memory_space<semaphore_mem>>)
      tpu.wait_dma2 semaphore(%run_scoped3A_23 : memref<!tpu.dma_semaphore, #tpu.memory_space<semaphore_mem>>) src(%arg3 : memref<1024xi32, #tpu.memory_space<hbm>>) dst(%arg7 : memref<1024xi32, #tpu.memory_space<vmem>>)
      tpu.yield
    }) : () -> ()
    %scan3A = arith.constant 0 : i32
    %scan3A_3 = arith.constant 0 : i32
    %scan3A_4 = arith.constant 64 : i32
    %scan3A_5 = arith.addi %scan3A_3, %scan3A_4 : i32
    %scan3A_6 = arith.constant 1 : i32
    %scan3A_7 = scf.for %scan3A_23 = %scan3A_3 to %scan3A_5 step %scan3A_6 iter_args(%scan3A_24 = %scan3A) -> (i32)  : i32 {
      %broadcast_in_dim3A = arith.constant 0.000000e+00 : f32
      %broadcast_in_dim3A_25 = vector.broadcast %broadcast_in_dim3A : f32 to vector<16xf32>
      %mul3A_26 = arith.constant 16 : i32
      %mul3A_27 = arith.muli %scan3A_23, %mul3A_26 : i32
      %swap3A = arith.index_cast %mul3A_27 : i32 to index
      %swap3A_28 = tpu.vector_load %arg8[%swap3A] {strides = array<i32>} : memref<1024xf32, #tpu.memory_space<vmem>>, vector<16xf32>,
      %swap3A_29 = vector.shape_cast %swap3A_28 : vector<16xf32> to vector<16xf32>
      %swap3A_30 = vector.shape_cast %broadcast_in_dim3A_25 : vector<16xf32> to vector<16xf32>
      tpu.vector_store %arg8[%swap3A], %swap3A_30 {strides = array<i32>} : memref<1024xf32, #tpu.memory_space<vmem>>, vector<16xf32>,
      %mul3A_31 = arith.constant 16 : i32
      %mul3A_32 = arith.muli %scan3A_23, %mul3A_31 : i32
      %swap3A_33 = arith.index_cast %mul3A_32 : i32 to index
      %swap3A_34 = tpu.vector_load %arg9[%swap3A_33] {strides = array<i32>} : memref<1024xf32, #tpu.memory_space<vmem>>, vector<16xf32>,
      %swap3A_35 = vector.shape_cast %swap3A_34 : vector<16xf32> to vector<16xf32>
      %swap3A_36 = vector.shape_cast %broadcast_in_dim3A_25 : vector<16xf32> to vector<16xf32>
      tpu.vector_store %arg9[%swap3A_33], %swap3A_36 {strides = array<i32>} : memref<1024xf32, #tpu.memory_space<vmem>>, vector<16xf32>,
      %sub3A = arith.constant 3.000000e+38 : f32
      %sub3A_37 = vector.broadcast %sub3A : f32 to vector<16xf32>
      %sub3A_38 = arith.subf %broadcast_in_dim3A_25, %sub3A_37 : vector<16xf32>
      %mul3A_39 = arith.constant 16 : i32
      %mul3A_40 = arith.muli %scan3A_23, %mul3A_39 : i32
      %swap3A_41 = arith.index_cast %mul3A_40 : i32 to index
      %swap3A_42 = tpu.vector_load %arg10[%swap3A_41] {strides = array<i32>} : memref<1024xf32, #tpu.memory_space<vmem>>, vector<16xf32>,
      %swap3A_43 = vector.shape_cast %swap3A_42 : vector<16xf32> to vector<16xf32>
      %swap3A_44 = vector.shape_cast %sub3A_38 : vector<16xf32> to vector<16xf32>
      tpu.vector_store %arg10[%swap3A_41], %swap3A_44 {strides = array<i32>} : memref<1024xf32, #tpu.memory_space<vmem>>, vector<16xf32>,
      %scan3A_45 = arith.constant 0 : i32
      scf.yield %scan3A_45 : i32
    }
    %scan3A_8 = arith.constant 64 : i32
    %add3A_9 = arith.constant 0 : i32
    %add3A_10 = arith.addi %mul3A_2, %add3A_9 : i32
    %dma_start3A = arith.constant 0 : i32
    %dma_start3A_11 = tpu.memref_slice %arg2[%add3A_10, %dma_start3A] : memref<100000x1024xf32, #tpu.memory_space<hbm>> -> memref<32x1024xf32, #tpu.memory_space<hbm>>
    %dma_start3A_12 = arith.constant 0 : i32
    %dma_start3A_13 = tpu.memref_slice %arg2[%add3A_10, %dma_start3A_12] : memref<100000x1024xf32, #tpu.memory_space<hbm>> -> memref<32x1024xf32, #tpu.memory_space<hbm>>
    tpu.enqueue_dma source(%dma_start3A_13 : memref<32x1024xf32, #tpu.memory_space<hbm>>) target(%arg5 : memref<32x1024xf32, #tpu.memory_space<vmem>>) target_semaphore(%arg11 : memref<!tpu.dma_semaphore, #tpu.memory_space<semaphore_mem>>)
    %scan3A_14 = arith.constant 0 : i32
    %scan3A_15 = arith.constant 0 : i32
    %scan3A_16 = arith.constant 19 : i32
    %scan3A_17 = arith.addi %scan3A_15, %scan3A_16 : i32
    %scan3A_18 = arith.constant 1 : i32
    %scan3A_19 = scf.for %scan3A_23 = %scan3A_15 to %scan3A_17 step %scan3A_18 iter_args(%scan3A_24 = %scan3A_14) -> (i32)  : i32 {
      %mul3A_25 = arith.constant 2 : i32
      %mul3A_26 = arith.muli %mul3A_25, %scan3A_23 : i32
      %add3A_27 = arith.constant 1 : i32
      %add3A_28 = arith.addi %mul3A_26, %add3A_27 : i32
      %mul3A_29 = arith.constant 32 : i32
      %mul3A_30 = arith.muli %mul3A_29, %add3A_28 : i32
      %add3A_31 = arith.addi %mul3A_2, %mul3A_30 : i32
      %dma_start3A_32 = arith.constant 0 : i32
      %dma_start3A_33 = tpu.memref_slice %arg2[%add3A_31, %dma_start3A_32] : memref<100000x1024xf32, #tpu.memory_space<hbm>> -> memref<32x1024xf32, #tpu.memory_space<hbm>>
      %dma_start3A_34 = arith.constant 0 : i32
      %dma_start3A_35 = tpu.memref_slice %arg2[%add3A_31, %dma_start3A_34] : memref<100000x1024xf32, #tpu.memory_space<hbm>> -> memref<32x1024xf32, #tpu.memory_space<hbm>>
      tpu.enqueue_dma source(%dma_start3A_35 : memref<32x1024xf32, #tpu.memory_space<hbm>>) target(%arg6 : memref<32x1024xf32, #tpu.memory_space<vmem>>) target_semaphore(%arg12 : memref<!tpu.dma_semaphore, #tpu.memory_space<semaphore_mem>>)
      %dma_wait3A = arith.constant 0 : i32
      %dma_wait3A_36 = tpu.memref_slice %arg2[%mul3A_2, %dma_wait3A] : memref<100000x1024xf32, #tpu.memory_space<hbm>> -> memref<32x1024xf32, #tpu.memory_space<hbm>>
      %dma_wait3A_37 = arith.constant 0 : i32
      %dma_wait3A_38 = tpu.memref_slice %arg2[%mul3A_2, %dma_wait3A_37] : memref<100000x1024xf32, #tpu.memory_space<hbm>> -> memref<32x1024xf32, #tpu.memory_space<hbm>>
      tpu.wait_dma2 semaphore(%arg11 : memref<!tpu.dma_semaphore, #tpu.memory_space<semaphore_mem>>) src(%dma_wait3A_38 : memref<32x1024xf32, #tpu.memory_space<hbm>>) dst(%arg5 : memref<32x1024xf32, #tpu.memory_space<vmem>>)
      %mul3A_39 = arith.constant 32 : i32
      %mul3A_40 = arith.muli %mul3A_39, %mul3A_26 : i32
      %add3A_41 = arith.addi %mul3A_2, %mul3A_40 : i32
      %scan3A_42 = arith.constant 0 : i32
      %scan3A_43 = arith.constant 0 : i32
      %scan3A_44 = arith.constant 64 : i32
      %scan3A_45 = arith.addi %scan3A_43, %scan3A_44 : i32
      %scan3A_46 = arith.constant 1 : i32
      %scan3A_47 = scf.for %scan3A_70 = %scan3A_43 to %scan3A_45 step %scan3A_46 iter_args(%scan3A_71 = %scan3A_42) -> (i32)  : i32 {
        %mul3A_72 = arith.constant 16 : i32
        %mul3A_73 = arith.muli %scan3A_70, %mul3A_72 : i32
        %get3A = arith.index_cast %mul3A_73 : i32 to index
        %get3A_74 = tpu.vector_load %arg7[%get3A] {strides = array<i32>} : memref<1024xi32, #tpu.memory_space<vmem>>, vector<16xi32>,
        %get3A_75 = vector.shape_cast %get3A_74 : vector<16xi32> to vector<16xi32>
        %get3A_76 = arith.index_cast %mul3A_73 : i32 to index
        %get3A_77 = tpu.vector_load %arg8[%get3A_76] {strides = array<i32>} : memref<1024xf32, #tpu.memory_space<vmem>>, vector<16xf32>,
        %get3A_78 = vector.shape_cast %get3A_77 : vector<16xf32> to vector<16xf32>
        %get3A_79 = arith.index_cast %mul3A_73 : i32 to index
        %get3A_80 = tpu.vector_load %arg9[%get3A_79] {strides = array<i32>} : memref<1024xf32, #tpu.memory_space<vmem>>, vector<16xf32>,
        %get3A_81 = vector.shape_cast %get3A_80 : vector<16xf32> to vector<16xf32>
        %get3A_82 = arith.index_cast %mul3A_73 : i32 to index
        %get3A_83 = tpu.vector_load %arg10[%get3A_82] {strides = array<i32>} : memref<1024xf32, #tpu.memory_space<vmem>>, vector<16xf32>,
        %get3A_84 = vector.shape_cast %get3A_83 : vector<16xf32> to vector<16xf32>
        %get3A_85 = arith.constant 0 : i32
        %get3A_86 = arith.index_cast %get3A_85 : i32 to index
        %get3A_87 = arith.index_cast %mul3A_73 : i32 to index
        %get3A_88 = tpu.vector_load %arg5[%get3A_86, %get3A_87] {strides = array<i32>} : memref<32x1024xf32, #tpu.memory_space<vmem>>, vector<1x16xf32>,
        %get3A_89 = vector.shape_cast %get3A_88 : vector<1x16xf32> to vector<16xf32>
        %add3A_90 = arith.constant 0 : i32
        %add3A_91 = arith.addi %add3A_41, %add3A_90 : i32
        %eq3A = vector.broadcast %add3A_91 : i32 to vector<16xi32>
        %eq3A_92 = arith.cmpi eq, %get3A_75, %eq3A : vector<16xi32>
        %jit3A = arith.constant 0.000000e+00 : f32
        %broadcast_in_dim3A = vector.broadcast %jit3A : f32 to vector<16xf32>
        %select_n3A = arith.select %eq3A_92, %get3A_89, %broadcast_in_dim3A : vector<16xi1>, vector<16xf32>
        %add3A_93 = arith.addf %get3A_81, %select_n3A : vector<16xf32>
        %jit3A_94 = arith.constant -3.000000e+38 : f32
        %broadcast_in_dim3A_95 = vector.broadcast %jit3A_94 : f32 to vector<16xf32>
        %select_n3A_96 = arith.select %eq3A_92, %broadcast_in_dim3A_95, %get3A_89 : vector<16xi1>, vector<16xf32>
        %max3A = arith.maximumf %get3A_84, %select_n3A_96 : vector<16xf32>
        %exp3A = math.exp %get3A_89 : vector<16xf32>
        %add3A_97 = arith.addf %get3A_78, %exp3A : vector<16xf32>
        %get3A_98 = arith.constant 1 : i32
        %get3A_99 = arith.index_cast %get3A_98 : i32 to index
        %get3A_100 = arith.index_cast %mul3A_73 : i32 to index
        %get3A_101 = tpu.vector_load %arg5[%get3A_99, %get3A_100] {strides = array<i32>} : memref<32x1024xf32, #tpu.memory_space<vmem>>, vector<1x16xf32>,
        %get3A_102 = vector.shape_cast %get3A_101 : vector<1x16xf32> to vector<16xf32>
        %add3A_103 = arith.constant 1 : i32
        %add3A_104 = arith.addi %add3A_41, %add3A_103 : i32
        %eq3A_105 = vector.broadcast %add3A_104 : i32 to vector<16xi32>
        %eq3A_106 = arith.cmpi eq, %get3A_75, %eq3A_105 : vector<16xi32>
        %jit3A_107 = arith.constant 0.000000e+00 : f32
        %broadcast_in_dim3A_108 = vector.broadcast %jit3A_107 : f32 to vector<16xf32>
        %select_n3A_109 = arith.select %eq3A_106, %get3A_102, %broadcast_in_dim3A_108 : vector<16xi1>, vector<16xf32>
        %add3A_110 = arith.addf %add3A_93, %select_n3A_109 : vector<16xf32>
        %jit3A_111 = arith.constant -3.000000e+38 : f32
        %broadcast_in_dim3A_112 = vector.broadcast %jit3A_111 : f32 to vector<16xf32>
        %select_n3A_113 = arith.select %eq3A_106, %broadcast_in_dim3A_112, %get3A_102 : vector<16xi1>, vector<16xf32>
        %max3A_114 = arith.maximumf %max3A, %select_n3A_113 : vector<16xf32>
        %exp3A_115 = math.exp %get3A_102 : vector<16xf32>
        %add3A_116 = arith.addf %add3A_97, %exp3A_115 : vector<16xf32>
        %get3A_117 = arith.constant 2 : i32
        %get3A_118 = arith.index_cast %get3A_117 : i32 to index
        %get3A_119 = arith.index_cast %mul3A_73 : i32 to index
        %get3A_120 = tpu.vector_load %arg5[%get3A_118, %get3A_119] {strides = array<i32>} : memref<32x1024xf32, #tpu.memory_space<vmem>>, vector<1x16xf32>,
        %get3A_121 = vector.shape_cast %get3A_120 : vector<1x16xf32> to vector<16xf32>
        %add3A_122 = arith.constant 2 : i32
        %add3A_123 = arith.addi %add3A_41, %add3A_122 : i32
        %eq3A_124 = vector.broadcast %add3A_123 : i32 to vector<16xi32>
        %eq3A_125 = arith.cmpi eq, %get3A_75, %eq3A_124 : vector<16xi32>
        %jit3A_126 = arith.constant 0.000000e+00 : f32
        %broadcast_in_dim3A_127 = vector.broadcast %jit3A_126 : f32 to vector<16xf32>
        %select_n3A_128 = arith.select %eq3A_125, %get3A_121, %broadcast_in_dim3A_127 : vector<16xi1>, vector<16xf32>
        %add3A_129 = arith.addf %add3A_110, %select_n3A_128 : vector<16xf32>
        %jit3A_130 = arith.constant -3.000000e+38 : f32
        %broadcast_in_dim3A_131 = vector.broadcast %jit3A_130 : f32 to vector<16xf32>
        %select_n3A_132 = arith.select %eq3A_125, %broadcast_in_dim3A_131, %get3A_121 : vector<16xi1>, vector<16xf32>
        %max3A_133 = arith.maximumf %max3A_114, %select_n3A_132 : vector<16xf32>
        %exp3A_134 = math.exp %get3A_121 : vector<16xf32>
        %add3A_135 = arith.addf %add3A_116, %exp3A_134 : vector<16xf32>
        %get3A_136 = arith.constant 3 : i32
        %get3A_137 = arith.index_cast %get3A_136 : i32 to index
        %get3A_138 = arith.index_cast %mul3A_73 : i32 to index
        %get3A_139 = tpu.vector_load %arg5[%get3A_137, %get3A_138] {strides = array<i32>} : memref<32x1024xf32, #tpu.memory_space<vmem>>, vector<1x16xf32>,
        %get3A_140 = vector.shape_cast %get3A_139 : vector<1x16xf32> to vector<16xf32>
        %add3A_141 = arith.constant 3 : i32
        %add3A_142 = arith.addi %add3A_41, %add3A_141 : i32
        %eq3A_143 = vector.broadcast %add3A_142 : i32 to vector<16xi32>
        %eq3A_144 = arith.cmpi eq, %get3A_75, %eq3A_143 : vector<16xi32>
        %jit3A_145 = arith.constant 0.000000e+00 : f32
        %broadcast_in_dim3A_146 = vector.broadcast %jit3A_145 : f32 to vector<16xf32>
        %select_n3A_147 = arith.select %eq3A_144, %get3A_140, %broadcast_in_dim3A_146 : vector<16xi1>, vector<16xf32>
        %add3A_148 = arith.addf %add3A_129, %select_n3A_147 : vector<16xf32>
        %jit3A_149 = arith.constant -3.000000e+38 : f32
        %broadcast_in_dim3A_150 = vector.broadcast %jit3A_149 : f32 to vector<16xf32>
        %select_n3A_151 = arith.select %eq3A_144, %broadcast_in_dim3A_150, %get3A_140 : vector<16xi1>, vector<16xf32>
        %max3A_152 = arith.maximumf %max3A_133, %select_n3A_151 : vector<16xf32>
        %exp3A_153 = math.exp %get3A_140 : vector<16xf32>
        %add3A_154 = arith.addf %add3A_135, %exp3A_153 : vector<16xf32>
        %get3A_155 = arith.constant 4 : i32
        %get3A_156 = arith.index_cast %get3A_155 : i32 to index
        %get3A_157 = arith.index_cast %mul3A_73 : i32 to index
        %get3A_158 = tpu.vector_load %arg5[%get3A_156, %get3A_157] {strides = array<i32>} : memref<32x1024xf32, #tpu.memory_space<vmem>>, vector<1x16xf32>,
        %get3A_159 = vector.shape_cast %get3A_158 : vector<1x16xf32> to vector<16xf32>
        %add3A_160 = arith.constant 4 : i32
        %add3A_161 = arith.addi %add3A_41, %add3A_160 : i32
        %eq3A_162 = vector.broadcast %add3A_161 : i32 to vector<16xi32>
        %eq3A_163 = arith.cmpi eq, %get3A_75, %eq3A_162 : vector<16xi32>
        %jit3A_164 = arith.constant 0.000000e+00 : f32
        %broadcast_in_dim3A_165 = vector.broadcast %jit3A_164 : f32 to vector<16xf32>
        %select_n3A_166 = arith.select %eq3A_163, %get3A_159, %broadcast_in_dim3A_165 : vector<16xi1>, vector<16xf32>
        %add3A_167 = arith.addf %add3A_148, %select_n3A_166 : vector<16xf32>
        %jit3A_168 = arith.constant -3.000000e+38 : f32
        %broadcast_in_dim3A_169 = vector.broadcast %jit3A_168 : f32 to vector<16xf32>
        %select_n3A_170 = arith.select %eq3A_163, %broadcast_in_dim3A_169, %get3A_159 : vector<16xi1>, vector<16xf32>
        %max3A_171 = arith.maximumf %max3A_152, %select_n3A_170 : vector<16xf32>
        %exp3A_172 = math.exp %get3A_159 : vector<16xf32>
        %add3A_173 = arith.addf %add3A_154, %exp3A_172 : vector<16xf32>
        %get3A_174 = arith.constant 5 : i32
        %get3A_175 = arith.index_cast %get3A_174 : i32 to index
        %get3A_176 = arith.index_cast %mul3A_73 : i32 to index
        %get3A_177 = tpu.vector_load %arg5[%get3A_175, %get3A_176] {strides = array<i32>} : memref<32x1024xf32, #tpu.memory_space<vmem>>, vector<1x16xf32>,
        %get3A_178 = vector.shape_cast %get3A_177 : vector<1x16xf32> to vector<16xf32>
        %add3A_179 = arith.constant 5 : i32
        %add3A_180 = arith.addi %add3A_41, %add3A_179 : i32
        %eq3A_181 = vector.broadcast %add3A_180 : i32 to vector<16xi32>
        %eq3A_182 = arith.cmpi eq, %get3A_75, %eq3A_181 : vector<16xi32>
        %jit3A_183 = arith.constant 0.000000e+00 : f32
        %broadcast_in_dim3A_184 = vector.broadcast %jit3A_183 : f32 to vector<16xf32>
        %select_n3A_185 = arith.select %eq3A_182, %get3A_178, %broadcast_in_dim3A_184 : vector<16xi1>, vector<16xf32>
        %add3A_186 = arith.addf %add3A_167, %select_n3A_185 : vector<16xf32>
        %jit3A_187 = arith.constant -3.000000e+38 : f32
        %broadcast_in_dim3A_188 = vector.broadcast %jit3A_187 : f32 to vector<16xf32>
        %select_n3A_189 = arith.select %eq3A_182, %broadcast_in_dim3A_188, %get3A_178 : vector<16xi1>, vector<16xf32>
        %max3A_190 = arith.maximumf %max3A_171, %select_n3A_189 : vector<16xf32>
        %exp3A_191 = math.exp %get3A_178 : vector<16xf32>
        %add3A_192 = arith.addf %add3A_173, %exp3A_191 : vector<16xf32>
        %get3A_193 = arith.constant 6 : i32
        %get3A_194 = arith.index_cast %get3A_193 : i32 to index
        %get3A_195 = arith.index_cast %mul3A_73 : i32 to index
        %get3A_196 = tpu.vector_load %arg5[%get3A_194, %get3A_195] {strides = array<i32>} : memref<32x1024xf32, #tpu.memory_space<vmem>>, vector<1x16xf32>,
        %get3A_197 = vector.shape_cast %get3A_196 : vector<1x16xf32> to vector<16xf32>
        %add3A_198 = arith.constant 6 : i32
        %add3A_199 = arith.addi %add3A_41, %add3A_198 : i32
        %eq3A_200 = vector.broadcast %add3A_199 : i32 to vector<16xi32>
        %eq3A_201 = arith.cmpi eq, %get3A_75, %eq3A_200 : vector<16xi32>
        %jit3A_202 = arith.constant 0.000000e+00 : f32
        %broadcast_in_dim3A_203 = vector.broadcast %jit3A_202 : f32 to vector<16xf32>
        %select_n3A_204 = arith.select %eq3A_201, %get3A_197, %broadcast_in_dim3A_203 : vector<16xi1>, vector<16xf32>
        %add3A_205 = arith.addf %add3A_186, %select_n3A_204 : vector<16xf32>
        %jit3A_206 = arith.constant -3.000000e+38 : f32
        %broadcast_in_dim3A_207 = vector.broadcast %jit3A_206 : f32 to vector<16xf32>
        %select_n3A_208 = arith.select %eq3A_201, %broadcast_in_dim3A_207, %get3A_197 : vector<16xi1>, vector<16xf32>
        %max3A_209 = arith.maximumf %max3A_190, %select_n3A_208 : vector<16xf32>
        %exp3A_210 = math.exp %get3A_197 : vector<16xf32>
        %add3A_211 = arith.addf %add3A_192, %exp3A_210 : vector<16xf32>
        %get3A_212 = arith.constant 7 : i32
        %get3A_213 = arith.index_cast %get3A_212 : i32 to index
        %get3A_214 = arith.index_cast %mul3A_73 : i32 to index
        %get3A_215 = tpu.vector_load %arg5[%get3A_213, %get3A_214] {strides = array<i32>} : memref<32x1024xf32, #tpu.memory_space<vmem>>, vector<1x16xf32>,
        %get3A_216 = vector.shape_cast %get3A_215 : vector<1x16xf32> to vector<16xf32>
        %add3A_217 = arith.constant 7 : i32
        %add3A_218 = arith.addi %add3A_41, %add3A_217 : i32
        %eq3A_219 = vector.broadcast %add3A_218 : i32 to vector<16xi32>
        %eq3A_220 = arith.cmpi eq, %get3A_75, %eq3A_219 : vector<16xi32>
        %jit3A_221 = arith.constant 0.000000e+00 : f32
        %broadcast_in_dim3A_222 = vector.broadcast %jit3A_221 : f32 to vector<16xf32>
        %select_n3A_223 = arith.select %eq3A_220, %get3A_216, %broadcast_in_dim3A_222 : vector<16xi1>, vector<16xf32>
        %add3A_224 = arith.addf %add3A_205, %select_n3A_223 : vector<16xf32>
        %jit3A_225 = arith.constant -3.000000e+38 : f32
        %broadcast_in_dim3A_226 = vector.broadcast %jit3A_225 : f32 to vector<16xf32>
        %select_n3A_227 = arith.select %eq3A_220, %broadcast_in_dim3A_226, %get3A_216 : vector<16xi1>, vector<16xf32>
        %max3A_228 = arith.maximumf %max3A_209, %select_n3A_227 : vector<16xf32>
        %exp3A_229 = math.exp %get3A_216 : vector<16xf32>
        %add3A_230 = arith.addf %add3A_211, %exp3A_229 : vector<16xf32>
        %get3A_231 = arith.constant 8 : i32
        %get3A_232 = arith.index_cast %get3A_231 : i32 to index
        %get3A_233 = arith.index_cast %mul3A_73 : i32 to index
        %get3A_234 = tpu.vector_load %arg5[%get3A_232, %get3A_233] {strides = array<i32>} : memref<32x1024xf32, #tpu.memory_space<vmem>>, vector<1x16xf32>,
        %get3A_235 = vector.shape_cast %get3A_234 : vector<1x16xf32> to vector<16xf32>
        %add3A_236 = arith.constant 8 : i32
        %add3A_237 = arith.addi %add3A_41, %add3A_236 : i32
        %eq3A_238 = vector.broadcast %add3A_237 : i32 to vector<16xi32>
        %eq3A_239 = arith.cmpi eq, %get3A_75, %eq3A_238 : vector<16xi32>
        %jit3A_240 = arith.constant 0.000000e+00 : f32
        %broadcast_in_dim3A_241 = vector.broadcast %jit3A_240 : f32 to vector<16xf32>
        %select_n3A_242 = arith.select %eq3A_239, %get3A_235, %broadcast_in_dim3A_241 : vector<16xi1>, vector<16xf32>
        %add3A_243 = arith.addf %add3A_224, %select_n3A_242 : vector<16xf32>
        %jit3A_244 = arith.constant -3.000000e+38 : f32
        %broadcast_in_dim3A_245 = vector.broadcast %jit3A_244 : f32 to vector<16xf32>
        %select_n3A_246 = arith.select %eq3A_239, %broadcast_in_dim3A_245, %get3A_235 : vector<16xi1>, vector<16xf32>
        %max3A_247 = arith.maximumf %max3A_228, %select_n3A_246 : vector<16xf32>
        %exp3A_248 = math.exp %get3A_235 : vector<16xf32>
        %add3A_249 = arith.addf %add3A_230, %exp3A_248 : vector<16xf32>
        %get3A_250 = arith.constant 9 : i32
        %get3A_251 = arith.index_cast %get3A_250 : i32 to index
        %get3A_252 = arith.index_cast %mul3A_73 : i32 to index
        %get3A_253 = tpu.vector_load %arg5[%get3A_251, %get3A_252] {strides = array<i32>} : memref<32x1024xf32, #tpu.memory_space<vmem>>, vector<1x16xf32>,
        %get3A_254 = vector.shape_cast %get3A_253 : vector<1x16xf32> to vector<16xf32>
        %add3A_255 = arith.constant 9 : i32
        %add3A_256 = arith.addi %add3A_41, %add3A_255 : i32
        %eq3A_257 = vector.broadcast %add3A_256 : i32 to vector<16xi32>
        %eq3A_258 = arith.cmpi eq, %get3A_75, %eq3A_257 : vector<16xi32>
        %jit3A_259 = arith.constant 0.000000e+00 : f32
        %broadcast_in_dim3A_260 = vector.broadcast %jit3A_259 : f32 to vector<16xf32>
        %select_n3A_261 = arith.select %eq3A_258, %get3A_254, %broadcast_in_dim3A_260 : vector<16xi1>, vector<16xf32>
        %add3A_262 = arith.addf %add3A_243, %select_n3A_261 : vector<16xf32>
        %jit3A_263 = arith.constant -3.000000e+38 : f32
        %broadcast_in_dim3A_264 = vector.broadcast %jit3A_263 : f32 to vector<16xf32>
        %select_n3A_265 = arith.select %eq3A_258, %broadcast_in_dim3A_264, %get3A_254 : vector<16xi1>, vector<16xf32>
        %max3A_266 = arith.maximumf %max3A_247, %select_n3A_265 : vector<16xf32>
        %exp3A_267 = math.exp %get3A_254 : vector<16xf32>
        %add3A_268 = arith.addf %add3A_249, %exp3A_267 : vector<16xf32>
        %get3A_269 = arith.constant 10 : i32
        %get3A_270 = arith.index_cast %get3A_269 : i32 to index
        %get3A_271 = arith.index_cast %mul3A_73 : i32 to index
        %get3A_272 = tpu.vector_load %arg5[%get3A_270, %get3A_271] {strides = array<i32>} : memref<32x1024xf32, #tpu.memory_space<vmem>>, vector<1x16xf32>,
        %get3A_273 = vector.shape_cast %get3A_272 : vector<1x16xf32> to vector<16xf32>
        %add3A_274 = arith.constant 10 : i32
        %add3A_275 = arith.addi %add3A_41, %add3A_274 : i32
        %eq3A_276 = vector.broadcast %add3A_275 : i32 to vector<16xi32>
        %eq3A_277 = arith.cmpi eq, %get3A_75, %eq3A_276 : vector<16xi32>
        %jit3A_278 = arith.constant 0.000000e+00 : f32
        %broadcast_in_dim3A_279 = vector.broadcast %jit3A_278 : f32 to vector<16xf32>
        %select_n3A_280 = arith.select %eq3A_277, %get3A_273, %broadcast_in_dim3A_279 : vector<16xi1>, vector<16xf32>
        %add3A_281 = arith.addf %add3A_262, %select_n3A_280 : vector<16xf32>
        %jit3A_282 = arith.constant -3.000000e+38 : f32
        %broadcast_in_dim3A_283 = vector.broadcast %jit3A_282 : f32 to vector<16xf32>
        %select_n3A_284 = arith.select %eq3A_277, %broadcast_in_dim3A_283, %get3A_273 : vector<16xi1>, vector<16xf32>
        %max3A_285 = arith.maximumf %max3A_266, %select_n3A_284 : vector<16xf32>
        %exp3A_286 = math.exp %get3A_273 : vector<16xf32>
        %add3A_287 = arith.addf %add3A_268, %exp3A_286 : vector<16xf32>
        %get3A_288 = arith.constant 11 : i32
        %get3A_289 = arith.index_cast %get3A_288 : i32 to index
        %get3A_290 = arith.index_cast %mul3A_73 : i32 to index
        %get3A_291 = tpu.vector_load %arg5[%get3A_289, %get3A_290] {strides = array<i32>} : memref<32x1024xf32, #tpu.memory_space<vmem>>, vector<1x16xf32>,
        %get3A_292 = vector.shape_cast %get3A_291 : vector<1x16xf32> to vector<16xf32>
        %add3A_293 = arith.constant 11 : i32
        %add3A_294 = arith.addi %add3A_41, %add3A_293 : i32
        %eq3A_295 = vector.broadcast %add3A_294 : i32 to vector<16xi32>
        %eq3A_296 = arith.cmpi eq, %get3A_75, %eq3A_295 : vector<16xi32>
        %jit3A_297 = arith.constant 0.000000e+00 : f32
        %broadcast_in_dim3A_298 = vector.broadcast %jit3A_297 : f32 to vector<16xf32>
        %select_n3A_299 = arith.select %eq3A_296, %get3A_292, %broadcast_in_dim3A_298 : vector<16xi1>, vector<16xf32>
        %add3A_300 = arith.addf %add3A_281, %select_n3A_299 : vector<16xf32>
        %jit3A_301 = arith.constant -3.000000e+38 : f32
        %broadcast_in_dim3A_302 = vector.broadcast %jit3A_301 : f32 to vector<16xf32>
        %select_n3A_303 = arith.select %eq3A_296, %broadcast_in_dim3A_302, %get3A_292 : vector<16xi1>, vector<16xf32>
        %max3A_304 = arith.maximumf %max3A_285, %select_n3A_303 : vector<16xf32>
        %exp3A_305 = math.exp %get3A_292 : vector<16xf32>
        %add3A_306 = arith.addf %add3A_287, %exp3A_305 : vector<16xf32>
        %get3A_307 = arith.constant 12 : i32
        %get3A_308 = arith.index_cast %get3A_307 : i32 to index
        %get3A_309 = arith.index_cast %mul3A_73 : i32 to index
        %get3A_310 = tpu.vector_load %arg5[%get3A_308, %get3A_309] {strides = array<i32>} : memref<32x1024xf32, #tpu.memory_space<vmem>>, vector<1x16xf32>,
        %get3A_311 = vector.shape_cast %get3A_310 : vector<1x16xf32> to vector<16xf32>
        %add3A_312 = arith.constant 12 : i32
        %add3A_313 = arith.addi %add3A_41, %add3A_312 : i32
        %eq3A_314 = vector.broadcast %add3A_313 : i32 to vector<16xi32>
        %eq3A_315 = arith.cmpi eq, %get3A_75, %eq3A_314 : vector<16xi32>
        %jit3A_316 = arith.constant 0.000000e+00 : f32
        %broadcast_in_dim3A_317 = vector.broadcast %jit3A_316 : f32 to vector<16xf32>
        %select_n3A_318 = arith.select %eq3A_315, %get3A_311, %broadcast_in_dim3A_317 : vector<16xi1>, vector<16xf32>
        %add3A_319 = arith.addf %add3A_300, %select_n3A_318 : vector<16xf32>
        %jit3A_320 = arith.constant -3.000000e+38 : f32
        %broadcast_in_dim3A_321 = vector.broadcast %jit3A_320 : f32 to vector<16xf32>
        %select_n3A_322 = arith.select %eq3A_315, %broadcast_in_dim3A_321, %get3A_311 : vector<16xi1>, vector<16xf32>
        %max3A_323 = arith.maximumf %max3A_304, %select_n3A_322 : vector<16xf32>
        %exp3A_324 = math.exp %get3A_311 : vector<16xf32>
        %add3A_325 = arith.addf %add3A_306, %exp3A_324 : vector<16xf32>
        %get3A_326 = arith.constant 13 : i32
        %get3A_327 = arith.index_cast %get3A_326 : i32 to index
        %get3A_328 = arith.index_cast %mul3A_73 : i32 to index
        %get3A_329 = tpu.vector_load %arg5[%get3A_327, %get3A_328] {strides = array<i32>} : memref<32x1024xf32, #tpu.memory_space<vmem>>, vector<1x16xf32>,
        %get3A_330 = vector.shape_cast %get3A_329 : vector<1x16xf32> to vector<16xf32>
        %add3A_331 = arith.constant 13 : i32
        %add3A_332 = arith.addi %add3A_41, %add3A_331 : i32
        %eq3A_333 = vector.broadcast %add3A_332 : i32 to vector<16xi32>
        %eq3A_334 = arith.cmpi eq, %get3A_75, %eq3A_333 : vector<16xi32>
        %jit3A_335 = arith.constant 0.000000e+00 : f32
        %broadcast_in_dim3A_336 = vector.broadcast %jit3A_335 : f32 to vector<16xf32>
        %select_n3A_337 = arith.select %eq3A_334, %get3A_330, %broadcast_in_dim3A_336 : vector<16xi1>, vector<16xf32>
        %add3A_338 = arith.addf %add3A_319, %select_n3A_337 : vector<16xf32>
        %jit3A_339 = arith.constant -3.000000e+38 : f32
        %broadcast_in_dim3A_340 = vector.broadcast %jit3A_339 : f32 to vector<16xf32>
        %select_n3A_341 = arith.select %eq3A_334, %broadcast_in_dim3A_340, %get3A_330 : vector<16xi1>, vector<16xf32>
        %max3A_342 = arith.maximumf %max3A_323, %select_n3A_341 : vector<16xf32>
        %exp3A_343 = math.exp %get3A_330 : vector<16xf32>
        %add3A_344 = arith.addf %add3A_325, %exp3A_343 : vector<16xf32>
        %get3A_345 = arith.constant 14 : i32
        %get3A_346 = arith.index_cast %get3A_345 : i32 to index
        %get3A_347 = arith.index_cast %mul3A_73 : i32 to index
        %get3A_348 = tpu.vector_load %arg5[%get3A_346, %get3A_347] {strides = array<i32>} : memref<32x1024xf32, #tpu.memory_space<vmem>>, vector<1x16xf32>,
        %get3A_349 = vector.shape_cast %get3A_348 : vector<1x16xf32> to vector<16xf32>
        %add3A_350 = arith.constant 14 : i32
        %add3A_351 = arith.addi %add3A_41, %add3A_350 : i32
        %eq3A_352 = vector.broadcast %add3A_351 : i32 to vector<16xi32>
        %eq3A_353 = arith.cmpi eq, %get3A_75, %eq3A_352 : vector<16xi32>
        %jit3A_354 = arith.constant 0.000000e+00 : f32
        %broadcast_in_dim3A_355 = vector.broadcast %jit3A_354 : f32 to vector<16xf32>
        %select_n3A_356 = arith.select %eq3A_353, %get3A_349, %broadcast_in_dim3A_355 : vector<16xi1>, vector<16xf32>
        %add3A_357 = arith.addf %add3A_338, %select_n3A_356 : vector<16xf32>
        %jit3A_358 = arith.constant -3.000000e+38 : f32
        %broadcast_in_dim3A_359 = vector.broadcast %jit3A_358 : f32 to vector<16xf32>
        %select_n3A_360 = arith.select %eq3A_353, %broadcast_in_dim3A_359, %get3A_349 : vector<16xi1>, vector<16xf32>
        %max3A_361 = arith.maximumf %max3A_342, %select_n3A_360 : vector<16xf32>
        %exp3A_362 = math.exp %get3A_349 : vector<16xf32>
        %add3A_363 = arith.addf %add3A_344, %exp3A_362 : vector<16xf32>
        %get3A_364 = arith.constant 15 : i32
        %get3A_365 = arith.index_cast %get3A_364 : i32 to index
        %get3A_366 = arith.index_cast %mul3A_73 : i32 to index
        %get3A_367 = tpu.vector_load %arg5[%get3A_365, %get3A_366] {strides = array<i32>} : memref<32x1024xf32, #tpu.memory_space<vmem>>, vector<1x16xf32>,
        %get3A_368 = vector.shape_cast %get3A_367 : vector<1x16xf32> to vector<16xf32>
        %add3A_369 = arith.constant 15 : i32
        %add3A_370 = arith.addi %add3A_41, %add3A_369 : i32
        %eq3A_371 = vector.broadcast %add3A_370 : i32 to vector<16xi32>
        %eq3A_372 = arith.cmpi eq, %get3A_75, %eq3A_371 : vector<16xi32>
        %jit3A_373 = arith.constant 0.000000e+00 : f32
        %broadcast_in_dim3A_374 = vector.broadcast %jit3A_373 : f32 to vector<16xf32>
        %select_n3A_375 = arith.select %eq3A_372, %get3A_368, %broadcast_in_dim3A_374 : vector<16xi1>, vector<16xf32>
        %add3A_376 = arith.addf %add3A_357, %select_n3A_375 : vector<16xf32>
        %jit3A_377 = arith.constant -3.000000e+38 : f32
        %broadcast_in_dim3A_378 = vector.broadcast %jit3A_377 : f32 to vector<16xf32>
        %select_n3A_379 = arith.select %eq3A_372, %broadcast_in_dim3A_378, %get3A_368 : vector<16xi1>, vector<16xf32>
        %max3A_380 = arith.maximumf %max3A_361, %select_n3A_379 : vector<16xf32>
        %exp3A_381 = math.exp %get3A_368 : vector<16xf32>
        %add3A_382 = arith.addf %add3A_363, %exp3A_381 : vector<16xf32>
        %get3A_383 = arith.constant 16 : i32
        %get3A_384 = arith.index_cast %get3A_383 : i32 to index
        %get3A_385 = arith.index_cast %mul3A_73 : i32 to index
        %get3A_386 = tpu.vector_load %arg5[%get3A_384, %get3A_385] {strides = array<i32>} : memref<32x1024xf32, #tpu.memory_space<vmem>>, vector<1x16xf32>,
        %get3A_387 = vector.shape_cast %get3A_386 : vector<1x16xf32> to vector<16xf32>
        %add3A_388 = arith.constant 16 : i32
        %add3A_389 = arith.addi %add3A_41, %add3A_388 : i32
        %eq3A_390 = vector.broadcast %add3A_389 : i32 to vector<16xi32>
        %eq3A_391 = arith.cmpi eq, %get3A_75, %eq3A_390 : vector<16xi32>
        %jit3A_392 = arith.constant 0.000000e+00 : f32
        %broadcast_in_dim3A_393 = vector.broadcast %jit3A_392 : f32 to vector<16xf32>
        %select_n3A_394 = arith.select %eq3A_391, %get3A_387, %broadcast_in_dim3A_393 : vector<16xi1>, vector<16xf32>
        %add3A_395 = arith.addf %add3A_376, %select_n3A_394 : vector<16xf32>
        %jit3A_396 = arith.constant -3.000000e+38 : f32
        %broadcast_in_dim3A_397 = vector.broadcast %jit3A_396 : f32 to vector<16xf32>
        %select_n3A_398 = arith.select %eq3A_391, %broadcast_in_dim3A_397, %get3A_387 : vector<16xi1>, vector<16xf32>
        %max3A_399 = arith.maximumf %max3A_380, %select_n3A_398 : vector<16xf32>
        %exp3A_400 = math.exp %get3A_387 : vector<16xf32>
        %add3A_401 = arith.addf %add3A_382, %exp3A_400 : vector<16xf32>
        %get3A_402 = arith.constant 17 : i32
        %get3A_403 = arith.index_cast %get3A_402 : i32 to index
        %get3A_404 = arith.index_cast %mul3A_73 : i32 to index
        %get3A_405 = tpu.vector_load %arg5[%get3A_403, %get3A_404] {strides = array<i32>} : memref<32x1024xf32, #tpu.memory_space<vmem>>, vector<1x16xf32>,
        %get3A_406 = vector.shape_cast %get3A_405 : vector<1x16xf32> to vector<16xf32>
        %add3A_407 = arith.constant 17 : i32
        %add3A_408 = arith.addi %add3A_41, %add3A_407 : i32
        %eq3A_409 = vector.broadcast %add3A_408 : i32 to vector<16xi32>
        %eq3A_410 = arith.cmpi eq, %get3A_75, %eq3A_409 : vector<16xi32>
        %jit3A_411 = arith.constant 0.000000e+00 : f32
        %broadcast_in_dim3A_412 = vector.broadcast %jit3A_411 : f32 to vector<16xf32>
        %select_n3A_413 = arith.select %eq3A_410, %get3A_406, %broadcast_in_dim3A_412 : vector<16xi1>, vector<16xf32>
        %add3A_414 = arith.addf %add3A_395, %select_n3A_413 : vector<16xf32>
        %jit3A_415 = arith.constant -3.000000e+38 : f32
        %broadcast_in_dim3A_416 = vector.broadcast %jit3A_415 : f32 to vector<16xf32>
        %select_n3A_417 = arith.select %eq3A_410, %broadcast_in_dim3A_416, %get3A_406 : vector<16xi1>, vector<16xf32>
        %max3A_418 = arith.maximumf %max3A_399, %select_n3A_417 : vector<16xf32>
        %exp3A_419 = math.exp %get3A_406 : vector<16xf32>
        %add3A_420 = arith.addf %add3A_401, %exp3A_419 : vector<16xf32>
        %get3A_421 = arith.constant 18 : i32
        %get3A_422 = arith.index_cast %get3A_421 : i32 to index
        %get3A_423 = arith.index_cast %mul3A_73 : i32 to index
        %get3A_424 = tpu.vector_load %arg5[%get3A_422, %get3A_423] {strides = array<i32>} : memref<32x1024xf32, #tpu.memory_space<vmem>>, vector<1x16xf32>,
        %get3A_425 = vector.shape_cast %get3A_424 : vector<1x16xf32> to vector<16xf32>
        %add3A_426 = arith.constant 18 : i32
        %add3A_427 = arith.addi %add3A_41, %add3A_426 : i32
        %eq3A_428 = vector.broadcast %add3A_427 : i32 to vector<16xi32>
        %eq3A_429 = arith.cmpi eq, %get3A_75, %eq3A_428 : vector<16xi32>
        %jit3A_430 = arith.constant 0.000000e+00 : f32
        %broadcast_in_dim3A_431 = vector.broadcast %jit3A_430 : f32 to vector<16xf32>
        %select_n3A_432 = arith.select %eq3A_429, %get3A_425, %broadcast_in_dim3A_431 : vector<16xi1>, vector<16xf32>
        %add3A_433 = arith.addf %add3A_414, %select_n3A_432 : vector<16xf32>
        %jit3A_434 = arith.constant -3.000000e+38 : f32
        %broadcast_in_dim3A_435 = vector.broadcast %jit3A_434 : f32 to vector<16xf32>
        %select_n3A_436 = arith.select %eq3A_429, %broadcast_in_dim3A_435, %get3A_425 : vector<16xi1>, vector<16xf32>
        %max3A_437 = arith.maximumf %max3A_418, %select_n3A_436 : vector<16xf32>
        %exp3A_438 = math.exp %get3A_425 : vector<16xf32>
        %add3A_439 = arith.addf %add3A_420, %exp3A_438 : vector<16xf32>
        %get3A_440 = arith.constant 19 : i32
        %get3A_441 = arith.index_cast %get3A_440 : i32 to index
        %get3A_442 = arith.index_cast %mul3A_73 : i32 to index
        %get3A_443 = tpu.vector_load %arg5[%get3A_441, %get3A_442] {strides = array<i32>} : memref<32x1024xf32, #tpu.memory_space<vmem>>, vector<1x16xf32>,
        %get3A_444 = vector.shape_cast %get3A_443 : vector<1x16xf32> to vector<16xf32>
        %add3A_445 = arith.constant 19 : i32
        %add3A_446 = arith.addi %add3A_41, %add3A_445 : i32
        %eq3A_447 = vector.broadcast %add3A_446 : i32 to vector<16xi32>
        %eq3A_448 = arith.cmpi eq, %get3A_75, %eq3A_447 : vector<16xi32>
        %jit3A_449 = arith.constant 0.000000e+00 : f32
        %broadcast_in_dim3A_450 = vector.broadcast %jit3A_449 : f32 to vector<16xf32>
        %select_n3A_451 = arith.select %eq3A_448, %get3A_444, %broadcast_in_dim3A_450 : vector<16xi1>, vector<16xf32>
        %add3A_452 = arith.addf %add3A_433, %select_n3A_451 : vector<16xf32>
        %jit3A_453 = arith.constant -3.000000e+38 : f32
        %broadcast_in_dim3A_454 = vector.broadcast %jit3A_453 : f32 to vector<16xf32>
        %select_n3A_455 = arith.select %eq3A_448, %broadcast_in_dim3A_454, %get3A_444 : vector<16xi1>, vector<16xf32>
        %max3A_456 = arith.maximumf %max3A_437, %select_n3A_455 : vector<16xf32>
        %exp3A_457 = math.exp %get3A_444 : vector<16xf32>
        %add3A_458 = arith.addf %add3A_439, %exp3A_457 : vector<16xf32>
        %get3A_459 = arith.constant 20 : i32
        %get3A_460 = arith.index_cast %get3A_459 : i32 to index
        %get3A_461 = arith.index_cast %mul3A_73 : i32 to index
        %get3A_462 = tpu.vector_load %arg5[%get3A_460, %get3A_461] {strides = array<i32>} : memref<32x1024xf32, #tpu.memory_space<vmem>>, vector<1x16xf32>,
        %get3A_463 = vector.shape_cast %get3A_462 : vector<1x16xf32> to vector<16xf32>
        %add3A_464 = arith.constant 20 : i32
        %add3A_465 = arith.addi %add3A_41, %add3A_464 : i32
        %eq3A_466 = vector.broadcast %add3A_465 : i32 to vector<16xi32>
        %eq3A_467 = arith.cmpi eq, %get3A_75, %eq3A_466 : vector<16xi32>
        %jit3A_468 = arith.constant 0.000000e+00 : f32
        %broadcast_in_dim3A_469 = vector.broadcast %jit3A_468 : f32 to vector<16xf32>
        %select_n3A_470 = arith.select %eq3A_467, %get3A_463, %broadcast_in_dim3A_469 : vector<16xi1>, vector<16xf32>
        %add3A_471 = arith.addf %add3A_452, %select_n3A_470 : vector<16xf32>
        %jit3A_472 = arith.constant -3.000000e+38 : f32
        %broadcast_in_dim3A_473 = vector.broadcast %jit3A_472 : f32 to vector<16xf32>
        %select_n3A_474 = arith.select %eq3A_467, %broadcast_in_dim3A_473, %get3A_463 : vector<16xi1>, vector<16xf32>
        %max3A_475 = arith.maximumf %max3A_456, %select_n3A_474 : vector<16xf32>
        %exp3A_476 = math.exp %get3A_463 : vector<16xf32>
        %add3A_477 = arith.addf %add3A_458, %exp3A_476 : vector<16xf32>
        %get3A_478 = arith.constant 21 : i32
        %get3A_479 = arith.index_cast %get3A_478 : i32 to index
        %get3A_480 = arith.index_cast %mul3A_73 : i32 to index
        %get3A_481 = tpu.vector_load %arg5[%get3A_479, %get3A_480] {strides = array<i32>} : memref<32x1024xf32, #tpu.memory_space<vmem>>, vector<1x16xf32>,
        %get3A_482 = vector.shape_cast %get3A_481 : vector<1x16xf32> to vector<16xf32>
        %add3A_483 = arith.constant 21 : i32
        %add3A_484 = arith.addi %add3A_41, %add3A_483 : i32
        %eq3A_485 = vector.broadcast %add3A_484 : i32 to vector<16xi32>
        %eq3A_486 = arith.cmpi eq, %get3A_75, %eq3A_485 : vector<16xi32>
        %jit3A_487 = arith.constant 0.000000e+00 : f32
        %broadcast_in_dim3A_488 = vector.broadcast %jit3A_487 : f32 to vector<16xf32>
        %select_n3A_489 = arith.select %eq3A_486, %get3A_482, %broadcast_in_dim3A_488 : vector<16xi1>, vector<16xf32>
        %add3A_490 = arith.addf %add3A_471, %select_n3A_489 : vector<16xf32>
        %jit3A_491 = arith.constant -3.000000e+38 : f32
        %broadcast_in_dim3A_492 = vector.broadcast %jit3A_491 : f32 to vector<16xf32>
        %select_n3A_493 = arith.select %eq3A_486, %broadcast_in_dim3A_492, %get3A_482 : vector<16xi1>, vector<16xf32>
        %max3A_494 = arith.maximumf %max3A_475, %select_n3A_493 : vector<16xf32>
        %exp3A_495 = math.exp %get3A_482 : vector<16xf32>
        %add3A_496 = arith.addf %add3A_477, %exp3A_495 : vector<16xf32>
        %get3A_497 = arith.constant 22 : i32
        %get3A_498 = arith.index_cast %get3A_497 : i32 to index
        %get3A_499 = arith.index_cast %mul3A_73 : i32 to index
        %get3A_500 = tpu.vector_load %arg5[%get3A_498, %get3A_499] {strides = array<i32>} : memref<32x1024xf32, #tpu.memory_space<vmem>>, vector<1x16xf32>,
        %get3A_501 = vector.shape_cast %get3A_500 : vector<1x16xf32> to vector<16xf32>
        %add3A_502 = arith.constant 22 : i32
        %add3A_503 = arith.addi %add3A_41, %add3A_502 : i32
        %eq3A_504 = vector.broadcast %add3A_503 : i32 to vector<16xi32>
        %eq3A_505 = arith.cmpi eq, %get3A_75, %eq3A_504 : vector<16xi32>
        %jit3A_506 = arith.constant 0.000000e+00 : f32
        %broadcast_in_dim3A_507 = vector.broadcast %jit3A_506 : f32 to vector<16xf32>
        %select_n3A_508 = arith.select %eq3A_505, %get3A_501, %broadcast_in_dim3A_507 : vector<16xi1>, vector<16xf32>
        %add3A_509 = arith.addf %add3A_490, %select_n3A_508 : vector<16xf32>
        %jit3A_510 = arith.constant -3.000000e+38 : f32
        %broadcast_in_dim3A_511 = vector.broadcast %jit3A_510 : f32 to vector<16xf32>
        %select_n3A_512 = arith.select %eq3A_505, %broadcast_in_dim3A_511, %get3A_501 : vector<16xi1>, vector<16xf32>
        %max3A_513 = arith.maximumf %max3A_494, %select_n3A_512 : vector<16xf32>
        %exp3A_514 = math.exp %get3A_501 : vector<16xf32>
        %add3A_515 = arith.addf %add3A_496, %exp3A_514 : vector<16xf32>
        %get3A_516 = arith.constant 23 : i32
        %get3A_517 = arith.index_cast %get3A_516 : i32 to index
        %get3A_518 = arith.index_cast %mul3A_73 : i32 to index
        %get3A_519 = tpu.vector_load %arg5[%get3A_517, %get3A_518] {strides = array<i32>} : memref<32x1024xf32, #tpu.memory_space<vmem>>, vector<1x16xf32>,
        %get3A_520 = vector.shape_cast %get3A_519 : vector<1x16xf32> to vector<16xf32>
        %add3A_521 = arith.constant 23 : i32
        %add3A_522 = arith.addi %add3A_41, %add3A_521 : i32
        %eq3A_523 = vector.broadcast %add3A_522 : i32 to vector<16xi32>
        %eq3A_524 = arith.cmpi eq, %get3A_75, %eq3A_523 : vector<16xi32>
        %jit3A_525 = arith.constant 0.000000e+00 : f32
        %broadcast_in_dim3A_526 = vector.broadcast %jit3A_525 : f32 to vector<16xf32>
        %select_n3A_527 = arith.select %eq3A_524, %get3A_520, %broadcast_in_dim3A_526 : vector<16xi1>, vector<16xf32>
        %add3A_528 = arith.addf %add3A_509, %select_n3A_527 : vector<16xf32>
        %jit3A_529 = arith.constant -3.000000e+38 : f32
        %broadcast_in_dim3A_530 = vector.broadcast %jit3A_529 : f32 to vector<16xf32>
        %select_n3A_531 = arith.select %eq3A_524, %broadcast_in_dim3A_530, %get3A_520 : vector<16xi1>, vector<16xf32>
        %max3A_532 = arith.maximumf %max3A_513, %select_n3A_531 : vector<16xf32>
        %exp3A_533 = math.exp %get3A_520 : vector<16xf32>
        %add3A_534 = arith.addf %add3A_515, %exp3A_533 : vector<16xf32>
        %get3A_535 = arith.constant 24 : i32
        %get3A_536 = arith.index_cast %get3A_535 : i32 to index
        %get3A_537 = arith.index_cast %mul3A_73 : i32 to index
        %get3A_538 = tpu.vector_load %arg5[%get3A_536, %get3A_537] {strides = array<i32>} : memref<32x1024xf32, #tpu.memory_space<vmem>>, vector<1x16xf32>,
        %get3A_539 = vector.shape_cast %get3A_538 : vector<1x16xf32> to vector<16xf32>
        %add3A_540 = arith.constant 24 : i32
        %add3A_541 = arith.addi %add3A_41, %add3A_540 : i32
        %eq3A_542 = vector.broadcast %add3A_541 : i32 to vector<16xi32>
        %eq3A_543 = arith.cmpi eq, %get3A_75, %eq3A_542 : vector<16xi32>
        %jit3A_544 = arith.constant 0.000000e+00 : f32
        %broadcast_in_dim3A_545 = vector.broadcast %jit3A_544 : f32 to vector<16xf32>
        %select_n3A_546 = arith.select %eq3A_543, %get3A_539, %broadcast_in_dim3A_545 : vector<16xi1>, vector<16xf32>
        %add3A_547 = arith.addf %add3A_528, %select_n3A_546 : vector<16xf32>
        %jit3A_548 = arith.constant -3.000000e+38 : f32
        %broadcast_in_dim3A_549 = vector.broadcast %jit3A_548 : f32 to vector<16xf32>
        %select_n3A_550 = arith.select %eq3A_543, %broadcast_in_dim3A_549, %get3A_539 : vector<16xi1>, vector<16xf32>
        %max3A_551 = arith.maximumf %max3A_532, %select_n3A_550 : vector<16xf32>
        %exp3A_552 = math.exp %get3A_539 : vector<16xf32>
        %add3A_553 = arith.addf %add3A_534, %exp3A_552 : vector<16xf32>
        %get3A_554 = arith.constant 25 : i32
        %get3A_555 = arith.index_cast %get3A_554 : i32 to index
        %get3A_556 = arith.index_cast %mul3A_73 : i32 to index
        %get3A_557 = tpu.vector_load %arg5[%get3A_555, %get3A_556] {strides = array<i32>} : memref<32x1024xf32, #tpu.memory_space<vmem>>, vector<1x16xf32>,
        %get3A_558 = vector.shape_cast %get3A_557 : vector<1x16xf32> to vector<16xf32>
        %add3A_559 = arith.constant 25 : i32
        %add3A_560 = arith.addi %add3A_41, %add3A_559 : i32
        %eq3A_561 = vector.broadcast %add3A_560 : i32 to vector<16xi32>
        %eq3A_562 = arith.cmpi eq, %get3A_75, %eq3A_561 : vector<16xi32>
        %jit3A_563 = arith.constant 0.000000e+00 : f32
        %broadcast_in_dim3A_564 = vector.broadcast %jit3A_563 : f32 to vector<16xf32>
        %select_n3A_565 = arith.select %eq3A_562, %get3A_558, %broadcast_in_dim3A_564 : vector<16xi1>, vector<16xf32>
        %add3A_566 = arith.addf %add3A_547, %select_n3A_565 : vector<16xf32>
        %jit3A_567 = arith.constant -3.000000e+38 : f32
        %broadcast_in_dim3A_568 = vector.broadcast %jit3A_567 : f32 to vector<16xf32>
        %select_n3A_569 = arith.select %eq3A_562, %broadcast_in_dim3A_568, %get3A_558 : vector<16xi1>, vector<16xf32>
        %max3A_570 = arith.maximumf %max3A_551, %select_n3A_569 : vector<16xf32>
        %exp3A_571 = math.exp %get3A_558 : vector<16xf32>
        %add3A_572 = arith.addf %add3A_553, %exp3A_571 : vector<16xf32>
        %get3A_573 = arith.constant 26 : i32
        %get3A_574 = arith.index_cast %get3A_573 : i32 to index
        %get3A_575 = arith.index_cast %mul3A_73 : i32 to index
        %get3A_576 = tpu.vector_load %arg5[%get3A_574, %get3A_575] {strides = array<i32>} : memref<32x1024xf32, #tpu.memory_space<vmem>>, vector<1x16xf32>,
        %get3A_577 = vector.shape_cast %get3A_576 : vector<1x16xf32> to vector<16xf32>
        %add3A_578 = arith.constant 26 : i32
        %add3A_579 = arith.addi %add3A_41, %add3A_578 : i32
        %eq3A_580 = vector.broadcast %add3A_579 : i32 to vector<16xi32>
        %eq3A_581 = arith.cmpi eq, %get3A_75, %eq3A_580 : vector<16xi32>
        %jit3A_582 = arith.constant 0.000000e+00 : f32
        %broadcast_in_dim3A_583 = vector.broadcast %jit3A_582 : f32 to vector<16xf32>
        %select_n3A_584 = arith.select %eq3A_581, %get3A_577, %broadcast_in_dim3A_583 : vector<16xi1>, vector<16xf32>
        %add3A_585 = arith.addf %add3A_566, %select_n3A_584 : vector<16xf32>
        %jit3A_586 = arith.constant -3.000000e+38 : f32
        %broadcast_in_dim3A_587 = vector.broadcast %jit3A_586 : f32 to vector<16xf32>
        %select_n3A_588 = arith.select %eq3A_581, %broadcast_in_dim3A_587, %get3A_577 : vector<16xi1>, vector<16xf32>
        %max3A_589 = arith.maximumf %max3A_570, %select_n3A_588 : vector<16xf32>
        %exp3A_590 = math.exp %get3A_577 : vector<16xf32>
        %add3A_591 = arith.addf %add3A_572, %exp3A_590 : vector<16xf32>
        %get3A_592 = arith.constant 27 : i32
        %get3A_593 = arith.index_cast %get3A_592 : i32 to index
        %get3A_594 = arith.index_cast %mul3A_73 : i32 to index
        %get3A_595 = tpu.vector_load %arg5[%get3A_593, %get3A_594] {strides = array<i32>} : memref<32x1024xf32, #tpu.memory_space<vmem>>, vector<1x16xf32>,
        %get3A_596 = vector.shape_cast %get3A_595 : vector<1x16xf32> to vector<16xf32>
        %add3A_597 = arith.constant 27 : i32
        %add3A_598 = arith.addi %add3A_41, %add3A_597 : i32
        %eq3A_599 = vector.broadcast %add3A_598 : i32 to vector<16xi32>
        %eq3A_600 = arith.cmpi eq, %get3A_75, %eq3A_599 : vector<16xi32>
        %jit3A_601 = arith.constant 0.000000e+00 : f32
        %broadcast_in_dim3A_602 = vector.broadcast %jit3A_601 : f32 to vector<16xf32>
        %select_n3A_603 = arith.select %eq3A_600, %get3A_596, %broadcast_in_dim3A_602 : vector<16xi1>, vector<16xf32>
        %add3A_604 = arith.addf %add3A_585, %select_n3A_603 : vector<16xf32>
        %jit3A_605 = arith.constant -3.000000e+38 : f32
        %broadcast_in_dim3A_606 = vector.broadcast %jit3A_605 : f32 to vector<16xf32>
        %select_n3A_607 = arith.select %eq3A_600, %broadcast_in_dim3A_606, %get3A_596 : vector<16xi1>, vector<16xf32>
        %max3A_608 = arith.maximumf %max3A_589, %select_n3A_607 : vector<16xf32>
        %exp3A_609 = math.exp %get3A_596 : vector<16xf32>
        %add3A_610 = arith.addf %add3A_591, %exp3A_609 : vector<16xf32>
        %get3A_611 = arith.constant 28 : i32
        %get3A_612 = arith.index_cast %get3A_611 : i32 to index
        %get3A_613 = arith.index_cast %mul3A_73 : i32 to index
        %get3A_614 = tpu.vector_load %arg5[%get3A_612, %get3A_613] {strides = array<i32>} : memref<32x1024xf32, #tpu.memory_space<vmem>>, vector<1x16xf32>,
        %get3A_615 = vector.shape_cast %get3A_614 : vector<1x16xf32> to vector<16xf32>
        %add3A_616 = arith.constant 28 : i32
        %add3A_617 = arith.addi %add3A_41, %add3A_616 : i32
        %eq3A_618 = vector.broadcast %add3A_617 : i32 to vector<16xi32>
        %eq3A_619 = arith.cmpi eq, %get3A_75, %eq3A_618 : vector<16xi32>
        %jit3A_620 = arith.constant 0.000000e+00 : f32
        %broadcast_in_dim3A_621 = vector.broadcast %jit3A_620 : f32 to vector<16xf32>
        %select_n3A_622 = arith.select %eq3A_619, %get3A_615, %broadcast_in_dim3A_621 : vector<16xi1>, vector<16xf32>
        %add3A_623 = arith.addf %add3A_604, %select_n3A_622 : vector<16xf32>
        %jit3A_624 = arith.constant -3.000000e+38 : f32
        %broadcast_in_dim3A_625 = vector.broadcast %jit3A_624 : f32 to vector<16xf32>
        %select_n3A_626 = arith.select %eq3A_619, %broadcast_in_dim3A_625, %get3A_615 : vector<16xi1>, vector<16xf32>
        %max3A_627 = arith.maximumf %max3A_608, %select_n3A_626 : vector<16xf32>
        %exp3A_628 = math.exp %get3A_615 : vector<16xf32>
        %add3A_629 = arith.addf %add3A_610, %exp3A_628 : vector<16xf32>
        %get3A_630 = arith.constant 29 : i32
        %get3A_631 = arith.index_cast %get3A_630 : i32 to index
        %get3A_632 = arith.index_cast %mul3A_73 : i32 to index
        %get3A_633 = tpu.vector_load %arg5[%get3A_631, %get3A_632] {strides = array<i32>} : memref<32x1024xf32, #tpu.memory_space<vmem>>, vector<1x16xf32>,
        %get3A_634 = vector.shape_cast %get3A_633 : vector<1x16xf32> to vector<16xf32>
        %add3A_635 = arith.constant 29 : i32
        %add3A_636 = arith.addi %add3A_41, %add3A_635 : i32
        %eq3A_637 = vector.broadcast %add3A_636 : i32 to vector<16xi32>
        %eq3A_638 = arith.cmpi eq, %get3A_75, %eq3A_637 : vector<16xi32>
        %jit3A_639 = arith.constant 0.000000e+00 : f32
        %broadcast_in_dim3A_640 = vector.broadcast %jit3A_639 : f32 to vector<16xf32>
        %select_n3A_641 = arith.select %eq3A_638, %get3A_634, %broadcast_in_dim3A_640 : vector<16xi1>, vector<16xf32>
        %add3A_642 = arith.addf %add3A_623, %select_n3A_641 : vector<16xf32>
        %jit3A_643 = arith.constant -3.000000e+38 : f32
        %broadcast_in_dim3A_644 = vector.broadcast %jit3A_643 : f32 to vector<16xf32>
        %select_n3A_645 = arith.select %eq3A_638, %broadcast_in_dim3A_644, %get3A_634 : vector<16xi1>, vector<16xf32>
        %max3A_646 = arith.maximumf %max3A_627, %select_n3A_645 : vector<16xf32>
        %exp3A_647 = math.exp %get3A_634 : vector<16xf32>
        %add3A_648 = arith.addf %add3A_629, %exp3A_647 : vector<16xf32>
        %get3A_649 = arith.constant 30 : i32
        %get3A_650 = arith.index_cast %get3A_649 : i32 to index
        %get3A_651 = arith.index_cast %mul3A_73 : i32 to index
        %get3A_652 = tpu.vector_load %arg5[%get3A_650, %get3A_651] {strides = array<i32>} : memref<32x1024xf32, #tpu.memory_space<vmem>>, vector<1x16xf32>,
        %get3A_653 = vector.shape_cast %get3A_652 : vector<1x16xf32> to vector<16xf32>
        %add3A_654 = arith.constant 30 : i32
        %add3A_655 = arith.addi %add3A_41, %add3A_654 : i32
        %eq3A_656 = vector.broadcast %add3A_655 : i32 to vector<16xi32>
        %eq3A_657 = arith.cmpi eq, %get3A_75, %eq3A_656 : vector<16xi32>
        %jit3A_658 = arith.constant 0.000000e+00 : f32
        %broadcast_in_dim3A_659 = vector.broadcast %jit3A_658 : f32 to vector<16xf32>
        %select_n3A_660 = arith.select %eq3A_657, %get3A_653, %broadcast_in_dim3A_659 : vector<16xi1>, vector<16xf32>
        %add3A_661 = arith.addf %add3A_642, %select_n3A_660 : vector<16xf32>
        %jit3A_662 = arith.constant -3.000000e+38 : f32
        %broadcast_in_dim3A_663 = vector.broadcast %jit3A_662 : f32 to vector<16xf32>
        %select_n3A_664 = arith.select %eq3A_657, %broadcast_in_dim3A_663, %get3A_653 : vector<16xi1>, vector<16xf32>
        %max3A_665 = arith.maximumf %max3A_646, %select_n3A_664 : vector<16xf32>
        %exp3A_666 = math.exp %get3A_653 : vector<16xf32>
        %add3A_667 = arith.addf %add3A_648, %exp3A_666 : vector<16xf32>
        %get3A_668 = arith.constant 31 : i32
        %get3A_669 = arith.index_cast %get3A_668 : i32 to index
        %get3A_670 = arith.index_cast %mul3A_73 : i32 to index
        %get3A_671 = tpu.vector_load %arg5[%get3A_669, %get3A_670] {strides = array<i32>} : memref<32x1024xf32, #tpu.memory_space<vmem>>, vector<1x16xf32>,
        %get3A_672 = vector.shape_cast %get3A_671 : vector<1x16xf32> to vector<16xf32>
        %add3A_673 = arith.constant 31 : i32
        %add3A_674 = arith.addi %add3A_41, %add3A_673 : i32
        %eq3A_675 = vector.broadcast %add3A_674 : i32 to vector<16xi32>
        %eq3A_676 = arith.cmpi eq, %get3A_75, %eq3A_675 : vector<16xi32>
        %jit3A_677 = arith.constant 0.000000e+00 : f32
        %broadcast_in_dim3A_678 = vector.broadcast %jit3A_677 : f32 to vector<16xf32>
        %select_n3A_679 = arith.select %eq3A_676, %get3A_672, %broadcast_in_dim3A_678 : vector<16xi1>, vector<16xf32>
        %add3A_680 = arith.addf %add3A_661, %select_n3A_679 : vector<16xf32>
        %jit3A_681 = arith.constant -3.000000e+38 : f32
        %broadcast_in_dim3A_682 = vector.broadcast %jit3A_681 : f32 to vector<16xf32>
        %select_n3A_683 = arith.select %eq3A_676, %broadcast_in_dim3A_682, %get3A_672 : vector<16xi1>, vector<16xf32>
        %max3A_684 = arith.maximumf %max3A_665, %select_n3A_683 : vector<16xf32>
        %exp3A_685 = math.exp %get3A_672 : vector<16xf32>
        %add3A_686 = arith.addf %add3A_667, %exp3A_685 : vector<16xf32>
        %swap3A = arith.index_cast %mul3A_73 : i32 to index
        %swap3A_687 = tpu.vector_load %arg8[%swap3A] {strides = array<i32>} : memref<1024xf32, #tpu.memory_space<vmem>>, vector<16xf32>,
        %swap3A_688 = vector.shape_cast %swap3A_687 : vector<16xf32> to vector<16xf32>
        %swap3A_689 = vector.shape_cast %add3A_686 : vector<16xf32> to vector<16xf32>
        tpu.vector_store %arg8[%swap3A], %swap3A_689 {strides = array<i32>} : memref<1024xf32, #tpu.memory_space<vmem>>, vector<16xf32>,
        %swap3A_690 = arith.index_cast %mul3A_73 : i32 to index
        %swap3A_691 = tpu.vector_load %arg9[%swap3A_690] {strides = array<i32>} : memref<1024xf32, #tpu.memory_space<vmem>>, vector<16xf32>,
        %swap3A_692 = vector.shape_cast %swap3A_691 : vector<16xf32> to vector<16xf32>
        %swap3A_693 = vector.shape_cast %add3A_680 : vector<16xf32> to vector<16xf32>
        tpu.vector_store %arg9[%swap3A_690], %swap3A_693 {strides = array<i32>} : memref<1024xf32, #tpu.memory_space<vmem>>, vector<16xf32>,
        %swap3A_694 = arith.index_cast %mul3A_73 : i32 to index
        %swap3A_695 = tpu.vector_load %arg10[%swap3A_694] {strides = array<i32>} : memref<1024xf32, #tpu.memory_space<vmem>>, vector<16xf32>,
        %swap3A_696 = vector.shape_cast %swap3A_695 : vector<16xf32> to vector<16xf32>
        %swap3A_697 = vector.shape_cast %max3A_684 : vector<16xf32> to vector<16xf32>
        tpu.vector_store %arg10[%swap3A_694], %swap3A_697 {strides = array<i32>} : memref<1024xf32, #tpu.memory_space<vmem>>, vector<16xf32>,
        %scan3A_698 = arith.constant 0 : i32
        scf.yield %scan3A_698 : i32
      }
      %scan3A_48 = arith.constant 64 : i32
      %add3A_49 = arith.constant 2 : i32
      %add3A_50 = arith.addi %mul3A_26, %add3A_49 : i32
      %lt3A = arith.constant 38 : i32
      %lt3A_51 = arith.cmpi slt, %add3A_50, %lt3A : i32
      %convert_element_type3A = arith.extui %lt3A_51 : i1 to i32
      %cond3A = arith.constant 0 : i32
      %cond3A_52 = arith.cmpi ne, %convert_element_type3A, %cond3A : i32
      scf.if %cond3A_52 {
        %add3A_70 = arith.constant 2 : i32
        %add3A_71 = arith.addi %mul3A_26, %add3A_70 : i32
        %mul3A_72 = arith.constant 32 : i32
        %mul3A_73 = arith.muli %mul3A_72, %add3A_71 : i32
        %add3A_74 = arith.addi %mul3A_2, %mul3A_73 : i32
        %dma_start3A_75 = arith.constant 0 : i32
        %dma_start3A_76 = tpu.memref_slice %arg2[%add3A_74, %dma_start3A_75] : memref<100000x1024xf32, #tpu.memory_space<hbm>> -> memref<32x1024xf32, #tpu.memory_space<hbm>>
        %dma_start3A_77 = arith.constant 0 : i32
        %dma_start3A_78 = tpu.memref_slice %arg2[%add3A_74, %dma_start3A_77] : memref<100000x1024xf32, #tpu.memory_space<hbm>> -> memref<32x1024xf32, #tpu.memory_space<hbm>>
        tpu.enqueue_dma source(%dma_start3A_78 : memref<32x1024xf32, #tpu.memory_space<hbm>>) target(%arg5 : memref<32x1024xf32, #tpu.memory_space<vmem>>) target_semaphore(%arg11 : memref<!tpu.dma_semaphore, #tpu.memory_space<semaphore_mem>>)
      } else {
      }
      %dma_wait3A_53 = arith.constant 0 : i32
      %dma_wait3A_54 = tpu.memref_slice %arg2[%mul3A_2, %dma_wait3A_53] : memref<100000x1024xf32, #tpu.memory_space<hbm>> -> memref<32x1024xf32, #tpu.memory_space<hbm>>
      %dma_wait3A_55 = arith.constant 0 : i32
      %dma_wait3A_56 = tpu.memref_slice %arg2[%mul3A_2, %dma_wait3A_55] : memref<100000x1024xf32, #tpu.memory_space<hbm>> -> memref<32x1024xf32, #tpu.memory_space<hbm>>
      tpu.wait_dma2 semaphore(%arg12 : memref<!tpu.dma_semaphore, #tpu.memory_space<semaphore_mem>>) src(%dma_wait3A_56 : memref<32x1024xf32, #tpu.memory_space<hbm>>) dst(%arg6 : memref<32x1024xf32, #tpu.memory_space<vmem>>)
      %add3A_57 = arith.constant 1 : i32
      %add3A_58 = arith.addi %mul3A_26, %add3A_57 : i32
      %mul3A_59 = arith.constant 32 : i32
      %mul3A_60 = arith.muli %mul3A_59, %add3A_58 : i32
      %add3A_61 = arith.addi %mul3A_2, %mul3A_60 : i32
      %scan3A_62 = arith.constant 0 : i32
      %scan3A_63 = arith.constant 0 : i32
      %scan3A_64 = arith.constant 64 : i32
      %scan3A_65 = arith.addi %scan3A_63, %scan3A_64 : i32
      %scan3A_66 = arith.constant 1 : i32
      %scan3A_67 = scf.for %scan3A_70 = %scan3A_63 to %scan3A_65 step %scan3A_66 iter_args(%scan3A_71 = %scan3A_62) -> (i32)  : i32 {
        %mul3A_72 = arith.constant 16 : i32
        %mul3A_73 = arith.muli %scan3A_70, %mul3A_72 : i32
        %get3A = arith.index_cast %mul3A_73 : i32 to index
        %get3A_74 = tpu.vector_load %arg7[%get3A] {strides = array<i32>} : memref<1024xi32, #tpu.memory_space<vmem>>, vector<16xi32>,
        %get3A_75 = vector.shape_cast %get3A_74 : vector<16xi32> to vector<16xi32>
        %get3A_76 = arith.index_cast %mul3A_73 : i32 to index
        %get3A_77 = tpu.vector_load %arg8[%get3A_76] {strides = array<i32>} : memref<1024xf32, #tpu.memory_space<vmem>>, vector<16xf32>,
        %get3A_78 = vector.shape_cast %get3A_77 : vector<16xf32> to vector<16xf32>
        %get3A_79 = arith.index_cast %mul3A_73 : i32 to index
        %get3A_80 = tpu.vector_load %arg9[%get3A_79] {strides = array<i32>} : memref<1024xf32, #tpu.memory_space<vmem>>, vector<16xf32>,
        %get3A_81 = vector.shape_cast %get3A_80 : vector<16xf32> to vector<16xf32>
        %get3A_82 = arith.index_cast %mul3A_73 : i32 to index
        %get3A_83 = tpu.vector_load %arg10[%get3A_82] {strides = array<i32>} : memref<1024xf32, #tpu.memory_space<vmem>>, vector<16xf32>,
        %get3A_84 = vector.shape_cast %get3A_83 : vector<16xf32> to vector<16xf32>
        %get3A_85 = arith.constant 0 : i32
        %get3A_86 = arith.index_cast %get3A_85 : i32 to index
        %get3A_87 = arith.index_cast %mul3A_73 : i32 to index
        %get3A_88 = tpu.vector_load %arg6[%get3A_86, %get3A_87] {strides = array<i32>} : memref<32x1024xf32, #tpu.memory_space<vmem>>, vector<1x16xf32>,
        %get3A_89 = vector.shape_cast %get3A_88 : vector<1x16xf32> to vector<16xf32>
        %add3A_90 = arith.constant 0 : i32
        %add3A_91 = arith.addi %add3A_61, %add3A_90 : i32
        %eq3A = vector.broadcast %add3A_91 : i32 to vector<16xi32>
        %eq3A_92 = arith.cmpi eq, %get3A_75, %eq3A : vector<16xi32>
        %jit3A = arith.constant 0.000000e+00 : f32
        %broadcast_in_dim3A = vector.broadcast %jit3A : f32 to vector<16xf32>
        %select_n3A = arith.select %eq3A_92, %get3A_89, %broadcast_in_dim3A : vector<16xi1>, vector<16xf32>
        %add3A_93 = arith.addf %get3A_81, %select_n3A : vector<16xf32>
        %jit3A_94 = arith.constant -3.000000e+38 : f32
        %broadcast_in_dim3A_95 = vector.broadcast %jit3A_94 : f32 to vector<16xf32>
        %select_n3A_96 = arith.select %eq3A_92, %broadcast_in_dim3A_95, %get3A_89 : vector<16xi1>, vector<16xf32>
        %max3A = arith.maximumf %get3A_84, %select_n3A_96 : vector<16xf32>
        %exp3A = math.exp %get3A_89 : vector<16xf32>
        %add3A_97 = arith.addf %get3A_78, %exp3A : vector<16xf32>
        %get3A_98 = arith.constant 1 : i32
        %get3A_99 = arith.index_cast %get3A_98 : i32 to index
        %get3A_100 = arith.index_cast %mul3A_73 : i32 to index
        %get3A_101 = tpu.vector_load %arg6[%get3A_99, %get3A_100] {strides = array<i32>} : memref<32x1024xf32, #tpu.memory_space<vmem>>, vector<1x16xf32>,
        %get3A_102 = vector.shape_cast %get3A_101 : vector<1x16xf32> to vector<16xf32>
        %add3A_103 = arith.constant 1 : i32
        %add3A_104 = arith.addi %add3A_61, %add3A_103 : i32
        %eq3A_105 = vector.broadcast %add3A_104 : i32 to vector<16xi32>
        %eq3A_106 = arith.cmpi eq, %get3A_75, %eq3A_105 : vector<16xi32>
        %jit3A_107 = arith.constant 0.000000e+00 : f32
        %broadcast_in_dim3A_108 = vector.broadcast %jit3A_107 : f32 to vector<16xf32>
        %select_n3A_109 = arith.select %eq3A_106, %get3A_102, %broadcast_in_dim3A_108 : vector<16xi1>, vector<16xf32>
        %add3A_110 = arith.addf %add3A_93, %select_n3A_109 : vector<16xf32>
        %jit3A_111 = arith.constant -3.000000e+38 : f32
        %broadcast_in_dim3A_112 = vector.broadcast %jit3A_111 : f32 to vector<16xf32>
        %select_n3A_113 = arith.select %eq3A_106, %broadcast_in_dim3A_112, %get3A_102 : vector<16xi1>, vector<16xf32>
        %max3A_114 = arith.maximumf %max3A, %select_n3A_113 : vector<16xf32>
        %exp3A_115 = math.exp %get3A_102 : vector<16xf32>
        %add3A_116 = arith.addf %add3A_97, %exp3A_115 : vector<16xf32>
        %get3A_117 = arith.constant 2 : i32
        %get3A_118 = arith.index_cast %get3A_117 : i32 to index
        %get3A_119 = arith.index_cast %mul3A_73 : i32 to index
        %get3A_120 = tpu.vector_load %arg6[%get3A_118, %get3A_119] {strides = array<i32>} : memref<32x1024xf32, #tpu.memory_space<vmem>>, vector<1x16xf32>,
        %get3A_121 = vector.shape_cast %get3A_120 : vector<1x16xf32> to vector<16xf32>
        %add3A_122 = arith.constant 2 : i32
        %add3A_123 = arith.addi %add3A_61, %add3A_122 : i32
        %eq3A_124 = vector.broadcast %add3A_123 : i32 to vector<16xi32>
        %eq3A_125 = arith.cmpi eq, %get3A_75, %eq3A_124 : vector<16xi32>
        %jit3A_126 = arith.constant 0.000000e+00 : f32
        %broadcast_in_dim3A_127 = vector.broadcast %jit3A_126 : f32 to vector<16xf32>
        %select_n3A_128 = arith.select %eq3A_125, %get3A_121, %broadcast_in_dim3A_127 : vector<16xi1>, vector<16xf32>
        %add3A_129 = arith.addf %add3A_110, %select_n3A_128 : vector<16xf32>
        %jit3A_130 = arith.constant -3.000000e+38 : f32
        %broadcast_in_dim3A_131 = vector.broadcast %jit3A_130 : f32 to vector<16xf32>
        %select_n3A_132 = arith.select %eq3A_125, %broadcast_in_dim3A_131, %get3A_121 : vector<16xi1>, vector<16xf32>
        %max3A_133 = arith.maximumf %max3A_114, %select_n3A_132 : vector<16xf32>
        %exp3A_134 = math.exp %get3A_121 : vector<16xf32>
        %add3A_135 = arith.addf %add3A_116, %exp3A_134 : vector<16xf32>
        %get3A_136 = arith.constant 3 : i32
        %get3A_137 = arith.index_cast %get3A_136 : i32 to index
        %get3A_138 = arith.index_cast %mul3A_73 : i32 to index
        %get3A_139 = tpu.vector_load %arg6[%get3A_137, %get3A_138] {strides = array<i32>} : memref<32x1024xf32, #tpu.memory_space<vmem>>, vector<1x16xf32>,
        %get3A_140 = vector.shape_cast %get3A_139 : vector<1x16xf32> to vector<16xf32>
        %add3A_141 = arith.constant 3 : i32
        %add3A_142 = arith.addi %add3A_61, %add3A_141 : i32
        %eq3A_143 = vector.broadcast %add3A_142 : i32 to vector<16xi32>
        %eq3A_144 = arith.cmpi eq, %get3A_75, %eq3A_143 : vector<16xi32>
        %jit3A_145 = arith.constant 0.000000e+00 : f32
        %broadcast_in_dim3A_146 = vector.broadcast %jit3A_145 : f32 to vector<16xf32>
        %select_n3A_147 = arith.select %eq3A_144, %get3A_140, %broadcast_in_dim3A_146 : vector<16xi1>, vector<16xf32>
        %add3A_148 = arith.addf %add3A_129, %select_n3A_147 : vector<16xf32>
        %jit3A_149 = arith.constant -3.000000e+38 : f32
        %broadcast_in_dim3A_150 = vector.broadcast %jit3A_149 : f32 to vector<16xf32>
        %select_n3A_151 = arith.select %eq3A_144, %broadcast_in_dim3A_150, %get3A_140 : vector<16xi1>, vector<16xf32>
        %max3A_152 = arith.maximumf %max3A_133, %select_n3A_151 : vector<16xf32>
        %exp3A_153 = math.exp %get3A_140 : vector<16xf32>
        %add3A_154 = arith.addf %add3A_135, %exp3A_153 : vector<16xf32>
        %get3A_155 = arith.constant 4 : i32
        %get3A_156 = arith.index_cast %get3A_155 : i32 to index
        %get3A_157 = arith.index_cast %mul3A_73 : i32 to index
        %get3A_158 = tpu.vector_load %arg6[%get3A_156, %get3A_157] {strides = array<i32>} : memref<32x1024xf32, #tpu.memory_space<vmem>>, vector<1x16xf32>,
        %get3A_159 = vector.shape_cast %get3A_158 : vector<1x16xf32> to vector<16xf32>
        %add3A_160 = arith.constant 4 : i32
        %add3A_161 = arith.addi %add3A_61, %add3A_160 : i32
        %eq3A_162 = vector.broadcast %add3A_161 : i32 to vector<16xi32>
        %eq3A_163 = arith.cmpi eq, %get3A_75, %eq3A_162 : vector<16xi32>
        %jit3A_164 = arith.constant 0.000000e+00 : f32
        %broadcast_in_dim3A_165 = vector.broadcast %jit3A_164 : f32 to vector<16xf32>
        %select_n3A_166 = arith.select %eq3A_163, %get3A_159, %broadcast_in_dim3A_165 : vector<16xi1>, vector<16xf32>
        %add3A_167 = arith.addf %add3A_148, %select_n3A_166 : vector<16xf32>
        %jit3A_168 = arith.constant -3.000000e+38 : f32
        %broadcast_in_dim3A_169 = vector.broadcast %jit3A_168 : f32 to vector<16xf32>
        %select_n3A_170 = arith.select %eq3A_163, %broadcast_in_dim3A_169, %get3A_159 : vector<16xi1>, vector<16xf32>
        %max3A_171 = arith.maximumf %max3A_152, %select_n3A_170 : vector<16xf32>
        %exp3A_172 = math.exp %get3A_159 : vector<16xf32>
        %add3A_173 = arith.addf %add3A_154, %exp3A_172 : vector<16xf32>
        %get3A_174 = arith.constant 5 : i32
        %get3A_175 = arith.index_cast %get3A_174 : i32 to index
        %get3A_176 = arith.index_cast %mul3A_73 : i32 to index
        %get3A_177 = tpu.vector_load %arg6[%get3A_175, %get3A_176] {strides = array<i32>} : memref<32x1024xf32, #tpu.memory_space<vmem>>, vector<1x16xf32>,
        %get3A_178 = vector.shape_cast %get3A_177 : vector<1x16xf32> to vector<16xf32>
        %add3A_179 = arith.constant 5 : i32
        %add3A_180 = arith.addi %add3A_61, %add3A_179 : i32
        %eq3A_181 = vector.broadcast %add3A_180 : i32 to vector<16xi32>
        %eq3A_182 = arith.cmpi eq, %get3A_75, %eq3A_181 : vector<16xi32>
        %jit3A_183 = arith.constant 0.000000e+00 : f32
        %broadcast_in_dim3A_184 = vector.broadcast %jit3A_183 : f32 to vector<16xf32>
        %select_n3A_185 = arith.select %eq3A_182, %get3A_178, %broadcast_in_dim3A_184 : vector<16xi1>, vector<16xf32>
        %add3A_186 = arith.addf %add3A_167, %select_n3A_185 : vector<16xf32>
        %jit3A_187 = arith.constant -3.000000e+38 : f32
        %broadcast_in_dim3A_188 = vector.broadcast %jit3A_187 : f32 to vector<16xf32>
        %select_n3A_189 = arith.select %eq3A_182, %broadcast_in_dim3A_188, %get3A_178 : vector<16xi1>, vector<16xf32>
        %max3A_190 = arith.maximumf %max3A_171, %select_n3A_189 : vector<16xf32>
        %exp3A_191 = math.exp %get3A_178 : vector<16xf32>
        %add3A_192 = arith.addf %add3A_173, %exp3A_191 : vector<16xf32>
        %get3A_193 = arith.constant 6 : i32
        %get3A_194 = arith.index_cast %get3A_193 : i32 to index
        %get3A_195 = arith.index_cast %mul3A_73 : i32 to index
        %get3A_196 = tpu.vector_load %arg6[%get3A_194, %get3A_195] {strides = array<i32>} : memref<32x1024xf32, #tpu.memory_space<vmem>>, vector<1x16xf32>,
        %get3A_197 = vector.shape_cast %get3A_196 : vector<1x16xf32> to vector<16xf32>
        %add3A_198 = arith.constant 6 : i32
        %add3A_199 = arith.addi %add3A_61, %add3A_198 : i32
        %eq3A_200 = vector.broadcast %add3A_199 : i32 to vector<16xi32>
        %eq3A_201 = arith.cmpi eq, %get3A_75, %eq3A_200 : vector<16xi32>
        %jit3A_202 = arith.constant 0.000000e+00 : f32
        %broadcast_in_dim3A_203 = vector.broadcast %jit3A_202 : f32 to vector<16xf32>
        %select_n3A_204 = arith.select %eq3A_201, %get3A_197, %broadcast_in_dim3A_203 : vector<16xi1>, vector<16xf32>
        %add3A_205 = arith.addf %add3A_186, %select_n3A_204 : vector<16xf32>
        %jit3A_206 = arith.constant -3.000000e+38 : f32
        %broadcast_in_dim3A_207 = vector.broadcast %jit3A_206 : f32 to vector<16xf32>
        %select_n3A_208 = arith.select %eq3A_201, %broadcast_in_dim3A_207, %get3A_197 : vector<16xi1>, vector<16xf32>
        %max3A_209 = arith.maximumf %max3A_190, %select_n3A_208 : vector<16xf32>
        %exp3A_210 = math.exp %get3A_197 : vector<16xf32>
        %add3A_211 = arith.addf %add3A_192, %exp3A_210 : vector<16xf32>
        %get3A_212 = arith.constant 7 : i32
        %get3A_213 = arith.index_cast %get3A_212 : i32 to index
        %get3A_214 = arith.index_cast %mul3A_73 : i32 to index
        %get3A_215 = tpu.vector_load %arg6[%get3A_213, %get3A_214] {strides = array<i32>} : memref<32x1024xf32, #tpu.memory_space<vmem>>, vector<1x16xf32>,
        %get3A_216 = vector.shape_cast %get3A_215 : vector<1x16xf32> to vector<16xf32>
        %add3A_217 = arith.constant 7 : i32
        %add3A_218 = arith.addi %add3A_61, %add3A_217 : i32
        %eq3A_219 = vector.broadcast %add3A_218 : i32 to vector<16xi32>
        %eq3A_220 = arith.cmpi eq, %get3A_75, %eq3A_219 : vector<16xi32>
        %jit3A_221 = arith.constant 0.000000e+00 : f32
        %broadcast_in_dim3A_222 = vector.broadcast %jit3A_221 : f32 to vector<16xf32>
        %select_n3A_223 = arith.select %eq3A_220, %get3A_216, %broadcast_in_dim3A_222 : vector<16xi1>, vector<16xf32>
        %add3A_224 = arith.addf %add3A_205, %select_n3A_223 : vector<16xf32>
        %jit3A_225 = arith.constant -3.000000e+38 : f32
        %broadcast_in_dim3A_226 = vector.broadcast %jit3A_225 : f32 to vector<16xf32>
        %select_n3A_227 = arith.select %eq3A_220, %broadcast_in_dim3A_226, %get3A_216 : vector<16xi1>, vector<16xf32>
        %max3A_228 = arith.maximumf %max3A_209, %select_n3A_227 : vector<16xf32>
        %exp3A_229 = math.exp %get3A_216 : vector<16xf32>
        %add3A_230 = arith.addf %add3A_211, %exp3A_229 : vector<16xf32>
        %get3A_231 = arith.constant 8 : i32
        %get3A_232 = arith.index_cast %get3A_231 : i32 to index
        %get3A_233 = arith.index_cast %mul3A_73 : i32 to index
        %get3A_234 = tpu.vector_load %arg6[%get3A_232, %get3A_233] {strides = array<i32>} : memref<32x1024xf32, #tpu.memory_space<vmem>>, vector<1x16xf32>,
        %get3A_235 = vector.shape_cast %get3A_234 : vector<1x16xf32> to vector<16xf32>
        %add3A_236 = arith.constant 8 : i32
        %add3A_237 = arith.addi %add3A_61, %add3A_236 : i32
        %eq3A_238 = vector.broadcast %add3A_237 : i32 to vector<16xi32>
        %eq3A_239 = arith.cmpi eq, %get3A_75, %eq3A_238 : vector<16xi32>
        %jit3A_240 = arith.constant 0.000000e+00 : f32
        %broadcast_in_dim3A_241 = vector.broadcast %jit3A_240 : f32 to vector<16xf32>
        %select_n3A_242 = arith.select %eq3A_239, %get3A_235, %broadcast_in_dim3A_241 : vector<16xi1>, vector<16xf32>
        %add3A_243 = arith.addf %add3A_224, %select_n3A_242 : vector<16xf32>
        %jit3A_244 = arith.constant -3.000000e+38 : f32
        %broadcast_in_dim3A_245 = vector.broadcast %jit3A_244 : f32 to vector<16xf32>
        %select_n3A_246 = arith.select %eq3A_239, %broadcast_in_dim3A_245, %get3A_235 : vector<16xi1>, vector<16xf32>
        %max3A_247 = arith.maximumf %max3A_228, %select_n3A_246 : vector<16xf32>
        %exp3A_248 = math.exp %get3A_235 : vector<16xf32>
        %add3A_249 = arith.addf %add3A_230, %exp3A_248 : vector<16xf32>
        %get3A_250 = arith.constant 9 : i32
        %get3A_251 = arith.index_cast %get3A_250 : i32 to index
        %get3A_252 = arith.index_cast %mul3A_73 : i32 to index
        %get3A_253 = tpu.vector_load %arg6[%get3A_251, %get3A_252] {strides = array<i32>} : memref<32x1024xf32, #tpu.memory_space<vmem>>, vector<1x16xf32>,
        %get3A_254 = vector.shape_cast %get3A_253 : vector<1x16xf32> to vector<16xf32>
        %add3A_255 = arith.constant 9 : i32
        %add3A_256 = arith.addi %add3A_61, %add3A_255 : i32
        %eq3A_257 = vector.broadcast %add3A_256 : i32 to vector<16xi32>
        %eq3A_258 = arith.cmpi eq, %get3A_75, %eq3A_257 : vector<16xi32>
        %jit3A_259 = arith.constant 0.000000e+00 : f32
        %broadcast_in_dim3A_260 = vector.broadcast %jit3A_259 : f32 to vector<16xf32>
        %select_n3A_261 = arith.select %eq3A_258, %get3A_254, %broadcast_in_dim3A_260 : vector<16xi1>, vector<16xf32>
        %add3A_262 = arith.addf %add3A_243, %select_n3A_261 : vector<16xf32>
        %jit3A_263 = arith.constant -3.000000e+38 : f32
        %broadcast_in_dim3A_264 = vector.broadcast %jit3A_263 : f32 to vector<16xf32>
        %select_n3A_265 = arith.select %eq3A_258, %broadcast_in_dim3A_264, %get3A_254 : vector<16xi1>, vector<16xf32>
        %max3A_266 = arith.maximumf %max3A_247, %select_n3A_265 : vector<16xf32>
        %exp3A_267 = math.exp %get3A_254 : vector<16xf32>
        %add3A_268 = arith.addf %add3A_249, %exp3A_267 : vector<16xf32>
        %get3A_269 = arith.constant 10 : i32
        %get3A_270 = arith.index_cast %get3A_269 : i32 to index
        %get3A_271 = arith.index_cast %mul3A_73 : i32 to index
        %get3A_272 = tpu.vector_load %arg6[%get3A_270, %get3A_271] {strides = array<i32>} : memref<32x1024xf32, #tpu.memory_space<vmem>>, vector<1x16xf32>,
        %get3A_273 = vector.shape_cast %get3A_272 : vector<1x16xf32> to vector<16xf32>
        %add3A_274 = arith.constant 10 : i32
        %add3A_275 = arith.addi %add3A_61, %add3A_274 : i32
        %eq3A_276 = vector.broadcast %add3A_275 : i32 to vector<16xi32>
        %eq3A_277 = arith.cmpi eq, %get3A_75, %eq3A_276 : vector<16xi32>
        %jit3A_278 = arith.constant 0.000000e+00 : f32
        %broadcast_in_dim3A_279 = vector.broadcast %jit3A_278 : f32 to vector<16xf32>
        %select_n3A_280 = arith.select %eq3A_277, %get3A_273, %broadcast_in_dim3A_279 : vector<16xi1>, vector<16xf32>
        %add3A_281 = arith.addf %add3A_262, %select_n3A_280 : vector<16xf32>
        %jit3A_282 = arith.constant -3.000000e+38 : f32
        %broadcast_in_dim3A_283 = vector.broadcast %jit3A_282 : f32 to vector<16xf32>
        %select_n3A_284 = arith.select %eq3A_277, %broadcast_in_dim3A_283, %get3A_273 : vector<16xi1>, vector<16xf32>
        %max3A_285 = arith.maximumf %max3A_266, %select_n3A_284 : vector<16xf32>
        %exp3A_286 = math.exp %get3A_273 : vector<16xf32>
        %add3A_287 = arith.addf %add3A_268, %exp3A_286 : vector<16xf32>
        %get3A_288 = arith.constant 11 : i32
        %get3A_289 = arith.index_cast %get3A_288 : i32 to index
        %get3A_290 = arith.index_cast %mul3A_73 : i32 to index
        %get3A_291 = tpu.vector_load %arg6[%get3A_289, %get3A_290] {strides = array<i32>} : memref<32x1024xf32, #tpu.memory_space<vmem>>, vector<1x16xf32>,
        %get3A_292 = vector.shape_cast %get3A_291 : vector<1x16xf32> to vector<16xf32>
        %add3A_293 = arith.constant 11 : i32
        %add3A_294 = arith.addi %add3A_61, %add3A_293 : i32
        %eq3A_295 = vector.broadcast %add3A_294 : i32 to vector<16xi32>
        %eq3A_296 = arith.cmpi eq, %get3A_75, %eq3A_295 : vector<16xi32>
        %jit3A_297 = arith.constant 0.000000e+00 : f32
        %broadcast_in_dim3A_298 = vector.broadcast %jit3A_297 : f32 to vector<16xf32>
        %select_n3A_299 = arith.select %eq3A_296, %get3A_292, %broadcast_in_dim3A_298 : vector<16xi1>, vector<16xf32>
        %add3A_300 = arith.addf %add3A_281, %select_n3A_299 : vector<16xf32>
        %jit3A_301 = arith.constant -3.000000e+38 : f32
        %broadcast_in_dim3A_302 = vector.broadcast %jit3A_301 : f32 to vector<16xf32>
        %select_n3A_303 = arith.select %eq3A_296, %broadcast_in_dim3A_302, %get3A_292 : vector<16xi1>, vector<16xf32>
        %max3A_304 = arith.maximumf %max3A_285, %select_n3A_303 : vector<16xf32>
        %exp3A_305 = math.exp %get3A_292 : vector<16xf32>
        %add3A_306 = arith.addf %add3A_287, %exp3A_305 : vector<16xf32>
        %get3A_307 = arith.constant 12 : i32
        %get3A_308 = arith.index_cast %get3A_307 : i32 to index
        %get3A_309 = arith.index_cast %mul3A_73 : i32 to index
        %get3A_310 = tpu.vector_load %arg6[%get3A_308, %get3A_309] {strides = array<i32>} : memref<32x1024xf32, #tpu.memory_space<vmem>>, vector<1x16xf32>,
        %get3A_311 = vector.shape_cast %get3A_310 : vector<1x16xf32> to vector<16xf32>
        %add3A_312 = arith.constant 12 : i32
        %add3A_313 = arith.addi %add3A_61, %add3A_312 : i32
        %eq3A_314 = vector.broadcast %add3A_313 : i32 to vector<16xi32>
        %eq3A_315 = arith.cmpi eq, %get3A_75, %eq3A_314 : vector<16xi32>
        %jit3A_316 = arith.constant 0.000000e+00 : f32
        %broadcast_in_dim3A_317 = vector.broadcast %jit3A_316 : f32 to vector<16xf32>
        %select_n3A_318 = arith.select %eq3A_315, %get3A_311, %broadcast_in_dim3A_317 : vector<16xi1>, vector<16xf32>
        %add3A_319 = arith.addf %add3A_300, %select_n3A_318 : vector<16xf32>
        %jit3A_320 = arith.constant -3.000000e+38 : f32
        %broadcast_in_dim3A_321 = vector.broadcast %jit3A_320 : f32 to vector<16xf32>
        %select_n3A_322 = arith.select %eq3A_315, %broadcast_in_dim3A_321, %get3A_311 : vector<16xi1>, vector<16xf32>
        %max3A_323 = arith.maximumf %max3A_304, %select_n3A_322 : vector<16xf32>
        %exp3A_324 = math.exp %get3A_311 : vector<16xf32>
        %add3A_325 = arith.addf %add3A_306, %exp3A_324 : vector<16xf32>
        %get3A_326 = arith.constant 13 : i32
        %get3A_327 = arith.index_cast %get3A_326 : i32 to index
        %get3A_328 = arith.index_cast %mul3A_73 : i32 to index
        %get3A_329 = tpu.vector_load %arg6[%get3A_327, %get3A_328] {strides = array<i32>} : memref<32x1024xf32, #tpu.memory_space<vmem>>, vector<1x16xf32>,
        %get3A_330 = vector.shape_cast %get3A_329 : vector<1x16xf32> to vector<16xf32>
        %add3A_331 = arith.constant 13 : i32
        %add3A_332 = arith.addi %add3A_61, %add3A_331 : i32
        %eq3A_333 = vector.broadcast %add3A_332 : i32 to vector<16xi32>
        %eq3A_334 = arith.cmpi eq, %get3A_75, %eq3A_333 : vector<16xi32>
        %jit3A_335 = arith.constant 0.000000e+00 : f32
        %broadcast_in_dim3A_336 = vector.broadcast %jit3A_335 : f32 to vector<16xf32>
        %select_n3A_337 = arith.select %eq3A_334, %get3A_330, %broadcast_in_dim3A_336 : vector<16xi1>, vector<16xf32>
        %add3A_338 = arith.addf %add3A_319, %select_n3A_337 : vector<16xf32>
        %jit3A_339 = arith.constant -3.000000e+38 : f32
        %broadcast_in_dim3A_340 = vector.broadcast %jit3A_339 : f32 to vector<16xf32>
        %select_n3A_341 = arith.select %eq3A_334, %broadcast_in_dim3A_340, %get3A_330 : vector<16xi1>, vector<16xf32>
        %max3A_342 = arith.maximumf %max3A_323, %select_n3A_341 : vector<16xf32>
        %exp3A_343 = math.exp %get3A_330 : vector<16xf32>
        %add3A_344 = arith.addf %add3A_325, %exp3A_343 : vector<16xf32>
        %get3A_345 = arith.constant 14 : i32
        %get3A_346 = arith.index_cast %get3A_345 : i32 to index
        %get3A_347 = arith.index_cast %mul3A_73 : i32 to index
        %get3A_348 = tpu.vector_load %arg6[%get3A_346, %get3A_347] {strides = array<i32>} : memref<32x1024xf32, #tpu.memory_space<vmem>>, vector<1x16xf32>,
        %get3A_349 = vector.shape_cast %get3A_348 : vector<1x16xf32> to vector<16xf32>
        %add3A_350 = arith.constant 14 : i32
        %add3A_351 = arith.addi %add3A_61, %add3A_350 : i32
        %eq3A_352 = vector.broadcast %add3A_351 : i32 to vector<16xi32>
        %eq3A_353 = arith.cmpi eq, %get3A_75, %eq3A_352 : vector<16xi32>
        %jit3A_354 = arith.constant 0.000000e+00 : f32
        %broadcast_in_dim3A_355 = vector.broadcast %jit3A_354 : f32 to vector<16xf32>
        %select_n3A_356 = arith.select %eq3A_353, %get3A_349, %broadcast_in_dim3A_355 : vector<16xi1>, vector<16xf32>
        %add3A_357 = arith.addf %add3A_338, %select_n3A_356 : vector<16xf32>
        %jit3A_358 = arith.constant -3.000000e+38 : f32
        %broadcast_in_dim3A_359 = vector.broadcast %jit3A_358 : f32 to vector<16xf32>
        %select_n3A_360 = arith.select %eq3A_353, %broadcast_in_dim3A_359, %get3A_349 : vector<16xi1>, vector<16xf32>
        %max3A_361 = arith.maximumf %max3A_342, %select_n3A_360 : vector<16xf32>
        %exp3A_362 = math.exp %get3A_349 : vector<16xf32>
        %add3A_363 = arith.addf %add3A_344, %exp3A_362 : vector<16xf32>
        %get3A_364 = arith.constant 15 : i32
        %get3A_365 = arith.index_cast %get3A_364 : i32 to index
        %get3A_366 = arith.index_cast %mul3A_73 : i32 to index
        %get3A_367 = tpu.vector_load %arg6[%get3A_365, %get3A_366] {strides = array<i32>} : memref<32x1024xf32, #tpu.memory_space<vmem>>, vector<1x16xf32>,
        %get3A_368 = vector.shape_cast %get3A_367 : vector<1x16xf32> to vector<16xf32>
        %add3A_369 = arith.constant 15 : i32
        %add3A_370 = arith.addi %add3A_61, %add3A_369 : i32
        %eq3A_371 = vector.broadcast %add3A_370 : i32 to vector<16xi32>
        %eq3A_372 = arith.cmpi eq, %get3A_75, %eq3A_371 : vector<16xi32>
        %jit3A_373 = arith.constant 0.000000e+00 : f32
        %broadcast_in_dim3A_374 = vector.broadcast %jit3A_373 : f32 to vector<16xf32>
        %select_n3A_375 = arith.select %eq3A_372, %get3A_368, %broadcast_in_dim3A_374 : vector<16xi1>, vector<16xf32>
        %add3A_376 = arith.addf %add3A_357, %select_n3A_375 : vector<16xf32>
        %jit3A_377 = arith.constant -3.000000e+38 : f32
        %broadcast_in_dim3A_378 = vector.broadcast %jit3A_377 : f32 to vector<16xf32>
        %select_n3A_379 = arith.select %eq3A_372, %broadcast_in_dim3A_378, %get3A_368 : vector<16xi1>, vector<16xf32>
        %max3A_380 = arith.maximumf %max3A_361, %select_n3A_379 : vector<16xf32>
        %exp3A_381 = math.exp %get3A_368 : vector<16xf32>
        %add3A_382 = arith.addf %add3A_363, %exp3A_381 : vector<16xf32>
        %get3A_383 = arith.constant 16 : i32
        %get3A_384 = arith.index_cast %get3A_383 : i32 to index
        %get3A_385 = arith.index_cast %mul3A_73 : i32 to index
        %get3A_386 = tpu.vector_load %arg6[%get3A_384, %get3A_385] {strides = array<i32>} : memref<32x1024xf32, #tpu.memory_space<vmem>>, vector<1x16xf32>,
        %get3A_387 = vector.shape_cast %get3A_386 : vector<1x16xf32> to vector<16xf32>
        %add3A_388 = arith.constant 16 : i32
        %add3A_389 = arith.addi %add3A_61, %add3A_388 : i32
        %eq3A_390 = vector.broadcast %add3A_389 : i32 to vector<16xi32>
        %eq3A_391 = arith.cmpi eq, %get3A_75, %eq3A_390 : vector<16xi32>
        %jit3A_392 = arith.constant 0.000000e+00 : f32
        %broadcast_in_dim3A_393 = vector.broadcast %jit3A_392 : f32 to vector<16xf32>
        %select_n3A_394 = arith.select %eq3A_391, %get3A_387, %broadcast_in_dim3A_393 : vector<16xi1>, vector<16xf32>
        %add3A_395 = arith.addf %add3A_376, %select_n3A_394 : vector<16xf32>
        %jit3A_396 = arith.constant -3.000000e+38 : f32
        %broadcast_in_dim3A_397 = vector.broadcast %jit3A_396 : f32 to vector<16xf32>
        %select_n3A_398 = arith.select %eq3A_391, %broadcast_in_dim3A_397, %get3A_387 : vector<16xi1>, vector<16xf32>
        %max3A_399 = arith.maximumf %max3A_380, %select_n3A_398 : vector<16xf32>
        %exp3A_400 = math.exp %get3A_387 : vector<16xf32>
        %add3A_401 = arith.addf %add3A_382, %exp3A_400 : vector<16xf32>
        %get3A_402 = arith.constant 17 : i32
        %get3A_403 = arith.index_cast %get3A_402 : i32 to index
        %get3A_404 = arith.index_cast %mul3A_73 : i32 to index
        %get3A_405 = tpu.vector_load %arg6[%get3A_403, %get3A_404] {strides = array<i32>} : memref<32x1024xf32, #tpu.memory_space<vmem>>, vector<1x16xf32>,
        %get3A_406 = vector.shape_cast %get3A_405 : vector<1x16xf32> to vector<16xf32>
        %add3A_407 = arith.constant 17 : i32
        %add3A_408 = arith.addi %add3A_61, %add3A_407 : i32
        %eq3A_409 = vector.broadcast %add3A_408 : i32 to vector<16xi32>
        %eq3A_410 = arith.cmpi eq, %get3A_75, %eq3A_409 : vector<16xi32>
        %jit3A_411 = arith.constant 0.000000e+00 : f32
        %broadcast_in_dim3A_412 = vector.broadcast %jit3A_411 : f32 to vector<16xf32>
        %select_n3A_413 = arith.select %eq3A_410, %get3A_406, %broadcast_in_dim3A_412 : vector<16xi1>, vector<16xf32>
        %add3A_414 = arith.addf %add3A_395, %select_n3A_413 : vector<16xf32>
        %jit3A_415 = arith.constant -3.000000e+38 : f32
        %broadcast_in_dim3A_416 = vector.broadcast %jit3A_415 : f32 to vector<16xf32>
        %select_n3A_417 = arith.select %eq3A_410, %broadcast_in_dim3A_416, %get3A_406 : vector<16xi1>, vector<16xf32>
        %max3A_418 = arith.maximumf %max3A_399, %select_n3A_417 : vector<16xf32>
        %exp3A_419 = math.exp %get3A_406 : vector<16xf32>
        %add3A_420 = arith.addf %add3A_401, %exp3A_419 : vector<16xf32>
        %get3A_421 = arith.constant 18 : i32
        %get3A_422 = arith.index_cast %get3A_421 : i32 to index
        %get3A_423 = arith.index_cast %mul3A_73 : i32 to index
        %get3A_424 = tpu.vector_load %arg6[%get3A_422, %get3A_423] {strides = array<i32>} : memref<32x1024xf32, #tpu.memory_space<vmem>>, vector<1x16xf32>,
        %get3A_425 = vector.shape_cast %get3A_424 : vector<1x16xf32> to vector<16xf32>
        %add3A_426 = arith.constant 18 : i32
        %add3A_427 = arith.addi %add3A_61, %add3A_426 : i32
        %eq3A_428 = vector.broadcast %add3A_427 : i32 to vector<16xi32>
        %eq3A_429 = arith.cmpi eq, %get3A_75, %eq3A_428 : vector<16xi32>
        %jit3A_430 = arith.constant 0.000000e+00 : f32
        %broadcast_in_dim3A_431 = vector.broadcast %jit3A_430 : f32 to vector<16xf32>
        %select_n3A_432 = arith.select %eq3A_429, %get3A_425, %broadcast_in_dim3A_431 : vector<16xi1>, vector<16xf32>
        %add3A_433 = arith.addf %add3A_414, %select_n3A_432 : vector<16xf32>
        %jit3A_434 = arith.constant -3.000000e+38 : f32
        %broadcast_in_dim3A_435 = vector.broadcast %jit3A_434 : f32 to vector<16xf32>
        %select_n3A_436 = arith.select %eq3A_429, %broadcast_in_dim3A_435, %get3A_425 : vector<16xi1>, vector<16xf32>
        %max3A_437 = arith.maximumf %max3A_418, %select_n3A_436 : vector<16xf32>
        %exp3A_438 = math.exp %get3A_425 : vector<16xf32>
        %add3A_439 = arith.addf %add3A_420, %exp3A_438 : vector<16xf32>
        %get3A_440 = arith.constant 19 : i32
        %get3A_441 = arith.index_cast %get3A_440 : i32 to index
        %get3A_442 = arith.index_cast %mul3A_73 : i32 to index
        %get3A_443 = tpu.vector_load %arg6[%get3A_441, %get3A_442] {strides = array<i32>} : memref<32x1024xf32, #tpu.memory_space<vmem>>, vector<1x16xf32>,
        %get3A_444 = vector.shape_cast %get3A_443 : vector<1x16xf32> to vector<16xf32>
        %add3A_445 = arith.constant 19 : i32
        %add3A_446 = arith.addi %add3A_61, %add3A_445 : i32
        %eq3A_447 = vector.broadcast %add3A_446 : i32 to vector<16xi32>
        %eq3A_448 = arith.cmpi eq, %get3A_75, %eq3A_447 : vector<16xi32>
        %jit3A_449 = arith.constant 0.000000e+00 : f32
        %broadcast_in_dim3A_450 = vector.broadcast %jit3A_449 : f32 to vector<16xf32>
        %select_n3A_451 = arith.select %eq3A_448, %get3A_444, %broadcast_in_dim3A_450 : vector<16xi1>, vector<16xf32>
        %add3A_452 = arith.addf %add3A_433, %select_n3A_451 : vector<16xf32>
        %jit3A_453 = arith.constant -3.000000e+38 : f32
        %broadcast_in_dim3A_454 = vector.broadcast %jit3A_453 : f32 to vector<16xf32>
        %select_n3A_455 = arith.select %eq3A_448, %broadcast_in_dim3A_454, %get3A_444 : vector<16xi1>, vector<16xf32>
        %max3A_456 = arith.maximumf %max3A_437, %select_n3A_455 : vector<16xf32>
        %exp3A_457 = math.exp %get3A_444 : vector<16xf32>
        %add3A_458 = arith.addf %add3A_439, %exp3A_457 : vector<16xf32>
        %get3A_459 = arith.constant 20 : i32
        %get3A_460 = arith.index_cast %get3A_459 : i32 to index
        %get3A_461 = arith.index_cast %mul3A_73 : i32 to index
        %get3A_462 = tpu.vector_load %arg6[%get3A_460, %get3A_461] {strides = array<i32>} : memref<32x1024xf32, #tpu.memory_space<vmem>>, vector<1x16xf32>,
        %get3A_463 = vector.shape_cast %get3A_462 : vector<1x16xf32> to vector<16xf32>
        %add3A_464 = arith.constant 20 : i32
        %add3A_465 = arith.addi %add3A_61, %add3A_464 : i32
        %eq3A_466 = vector.broadcast %add3A_465 : i32 to vector<16xi32>
        %eq3A_467 = arith.cmpi eq, %get3A_75, %eq3A_466 : vector<16xi32>
        %jit3A_468 = arith.constant 0.000000e+00 : f32
        %broadcast_in_dim3A_469 = vector.broadcast %jit3A_468 : f32 to vector<16xf32>
        %select_n3A_470 = arith.select %eq3A_467, %get3A_463, %broadcast_in_dim3A_469 : vector<16xi1>, vector<16xf32>
        %add3A_471 = arith.addf %add3A_452, %select_n3A_470 : vector<16xf32>
        %jit3A_472 = arith.constant -3.000000e+38 : f32
        %broadcast_in_dim3A_473 = vector.broadcast %jit3A_472 : f32 to vector<16xf32>
        %select_n3A_474 = arith.select %eq3A_467, %broadcast_in_dim3A_473, %get3A_463 : vector<16xi1>, vector<16xf32>
        %max3A_475 = arith.maximumf %max3A_456, %select_n3A_474 : vector<16xf32>
        %exp3A_476 = math.exp %get3A_463 : vector<16xf32>
        %add3A_477 = arith.addf %add3A_458, %exp3A_476 : vector<16xf32>
        %get3A_478 = arith.constant 21 : i32
        %get3A_479 = arith.index_cast %get3A_478 : i32 to index
        %get3A_480 = arith.index_cast %mul3A_73 : i32 to index
        %get3A_481 = tpu.vector_load %arg6[%get3A_479, %get3A_480] {strides = array<i32>} : memref<32x1024xf32, #tpu.memory_space<vmem>>, vector<1x16xf32>,
        %get3A_482 = vector.shape_cast %get3A_481 : vector<1x16xf32> to vector<16xf32>
        %add3A_483 = arith.constant 21 : i32
        %add3A_484 = arith.addi %add3A_61, %add3A_483 : i32
        %eq3A_485 = vector.broadcast %add3A_484 : i32 to vector<16xi32>
        %eq3A_486 = arith.cmpi eq, %get3A_75, %eq3A_485 : vector<16xi32>
        %jit3A_487 = arith.constant 0.000000e+00 : f32
        %broadcast_in_dim3A_488 = vector.broadcast %jit3A_487 : f32 to vector<16xf32>
        %select_n3A_489 = arith.select %eq3A_486, %get3A_482, %broadcast_in_dim3A_488 : vector<16xi1>, vector<16xf32>
        %add3A_490 = arith.addf %add3A_471, %select_n3A_489 : vector<16xf32>
        %jit3A_491 = arith.constant -3.000000e+38 : f32
        %broadcast_in_dim3A_492 = vector.broadcast %jit3A_491 : f32 to vector<16xf32>
        %select_n3A_493 = arith.select %eq3A_486, %broadcast_in_dim3A_492, %get3A_482 : vector<16xi1>, vector<16xf32>
        %max3A_494 = arith.maximumf %max3A_475, %select_n3A_493 : vector<16xf32>
        %exp3A_495 = math.exp %get3A_482 : vector<16xf32>
        %add3A_496 = arith.addf %add3A_477, %exp3A_495 : vector<16xf32>
        %get3A_497 = arith.constant 22 : i32
        %get3A_498 = arith.index_cast %get3A_497 : i32 to index
        %get3A_499 = arith.index_cast %mul3A_73 : i32 to index
        %get3A_500 = tpu.vector_load %arg6[%get3A_498, %get3A_499] {strides = array<i32>} : memref<32x1024xf32, #tpu.memory_space<vmem>>, vector<1x16xf32>,
        %get3A_501 = vector.shape_cast %get3A_500 : vector<1x16xf32> to vector<16xf32>
        %add3A_502 = arith.constant 22 : i32
        %add3A_503 = arith.addi %add3A_61, %add3A_502 : i32
        %eq3A_504 = vector.broadcast %add3A_503 : i32 to vector<16xi32>
        %eq3A_505 = arith.cmpi eq, %get3A_75, %eq3A_504 : vector<16xi32>
        %jit3A_506 = arith.constant 0.000000e+00 : f32
        %broadcast_in_dim3A_507 = vector.broadcast %jit3A_506 : f32 to vector<16xf32>
        %select_n3A_508 = arith.select %eq3A_505, %get3A_501, %broadcast_in_dim3A_507 : vector<16xi1>, vector<16xf32>
        %add3A_509 = arith.addf %add3A_490, %select_n3A_508 : vector<16xf32>
        %jit3A_510 = arith.constant -3.000000e+38 : f32
        %broadcast_in_dim3A_511 = vector.broadcast %jit3A_510 : f32 to vector<16xf32>
        %select_n3A_512 = arith.select %eq3A_505, %broadcast_in_dim3A_511, %get3A_501 : vector<16xi1>, vector<16xf32>
        %max3A_513 = arith.maximumf %max3A_494, %select_n3A_512 : vector<16xf32>
        %exp3A_514 = math.exp %get3A_501 : vector<16xf32>
        %add3A_515 = arith.addf %add3A_496, %exp3A_514 : vector<16xf32>
        %get3A_516 = arith.constant 23 : i32
        %get3A_517 = arith.index_cast %get3A_516 : i32 to index
        %get3A_518 = arith.index_cast %mul3A_73 : i32 to index
        %get3A_519 = tpu.vector_load %arg6[%get3A_517, %get3A_518] {strides = array<i32>} : memref<32x1024xf32, #tpu.memory_space<vmem>>, vector<1x16xf32>,
        %get3A_520 = vector.shape_cast %get3A_519 : vector<1x16xf32> to vector<16xf32>
        %add3A_521 = arith.constant 23 : i32
        %add3A_522 = arith.addi %add3A_61, %add3A_521 : i32
        %eq3A_523 = vector.broadcast %add3A_522 : i32 to vector<16xi32>
        %eq3A_524 = arith.cmpi eq, %get3A_75, %eq3A_523 : vector<16xi32>
        %jit3A_525 = arith.constant 0.000000e+00 : f32
        %broadcast_in_dim3A_526 = vector.broadcast %jit3A_525 : f32 to vector<16xf32>
        %select_n3A_527 = arith.select %eq3A_524, %get3A_520, %broadcast_in_dim3A_526 : vector<16xi1>, vector<16xf32>
        %add3A_528 = arith.addf %add3A_509, %select_n3A_527 : vector<16xf32>
        %jit3A_529 = arith.constant -3.000000e+38 : f32
        %broadcast_in_dim3A_530 = vector.broadcast %jit3A_529 : f32 to vector<16xf32>
        %select_n3A_531 = arith.select %eq3A_524, %broadcast_in_dim3A_530, %get3A_520 : vector<16xi1>, vector<16xf32>
        %max3A_532 = arith.maximumf %max3A_513, %select_n3A_531 : vector<16xf32>
        %exp3A_533 = math.exp %get3A_520 : vector<16xf32>
        %add3A_534 = arith.addf %add3A_515, %exp3A_533 : vector<16xf32>
        %get3A_535 = arith.constant 24 : i32
        %get3A_536 = arith.index_cast %get3A_535 : i32 to index
        %get3A_537 = arith.index_cast %mul3A_73 : i32 to index
        %get3A_538 = tpu.vector_load %arg6[%get3A_536, %get3A_537] {strides = array<i32>} : memref<32x1024xf32, #tpu.memory_space<vmem>>, vector<1x16xf32>,
        %get3A_539 = vector.shape_cast %get3A_538 : vector<1x16xf32> to vector<16xf32>
        %add3A_540 = arith.constant 24 : i32
        %add3A_541 = arith.addi %add3A_61, %add3A_540 : i32
        %eq3A_542 = vector.broadcast %add3A_541 : i32 to vector<16xi32>
        %eq3A_543 = arith.cmpi eq, %get3A_75, %eq3A_542 : vector<16xi32>
        %jit3A_544 = arith.constant 0.000000e+00 : f32
        %broadcast_in_dim3A_545 = vector.broadcast %jit3A_544 : f32 to vector<16xf32>
        %select_n3A_546 = arith.select %eq3A_543, %get3A_539, %broadcast_in_dim3A_545 : vector<16xi1>, vector<16xf32>
        %add3A_547 = arith.addf %add3A_528, %select_n3A_546 : vector<16xf32>
        %jit3A_548 = arith.constant -3.000000e+38 : f32
        %broadcast_in_dim3A_549 = vector.broadcast %jit3A_548 : f32 to vector<16xf32>
        %select_n3A_550 = arith.select %eq3A_543, %broadcast_in_dim3A_549, %get3A_539 : vector<16xi1>, vector<16xf32>
        %max3A_551 = arith.maximumf %max3A_532, %select_n3A_550 : vector<16xf32>
        %exp3A_552 = math.exp %get3A_539 : vector<16xf32>
        %add3A_553 = arith.addf %add3A_534, %exp3A_552 : vector<16xf32>
        %get3A_554 = arith.constant 25 : i32
        %get3A_555 = arith.index_cast %get3A_554 : i32 to index
        %get3A_556 = arith.index_cast %mul3A_73 : i32 to index
        %get3A_557 = tpu.vector_load %arg6[%get3A_555, %get3A_556] {strides = array<i32>} : memref<32x1024xf32, #tpu.memory_space<vmem>>, vector<1x16xf32>,
        %get3A_558 = vector.shape_cast %get3A_557 : vector<1x16xf32> to vector<16xf32>
        %add3A_559 = arith.constant 25 : i32
        %add3A_560 = arith.addi %add3A_61, %add3A_559 : i32
        %eq3A_561 = vector.broadcast %add3A_560 : i32 to vector<16xi32>
        %eq3A_562 = arith.cmpi eq, %get3A_75, %eq3A_561 : vector<16xi32>
        %jit3A_563 = arith.constant 0.000000e+00 : f32
        %broadcast_in_dim3A_564 = vector.broadcast %jit3A_563 : f32 to vector<16xf32>
        %select_n3A_565 = arith.select %eq3A_562, %get3A_558, %broadcast_in_dim3A_564 : vector<16xi1>, vector<16xf32>
        %add3A_566 = arith.addf %add3A_547, %select_n3A_565 : vector<16xf32>
        %jit3A_567 = arith.constant -3.000000e+38 : f32
        %broadcast_in_dim3A_568 = vector.broadcast %jit3A_567 : f32 to vector<16xf32>
        %select_n3A_569 = arith.select %eq3A_562, %broadcast_in_dim3A_568, %get3A_558 : vector<16xi1>, vector<16xf32>
        %max3A_570 = arith.maximumf %max3A_551, %select_n3A_569 : vector<16xf32>
        %exp3A_571 = math.exp %get3A_558 : vector<16xf32>
        %add3A_572 = arith.addf %add3A_553, %exp3A_571 : vector<16xf32>
        %get3A_573 = arith.constant 26 : i32
        %get3A_574 = arith.index_cast %get3A_573 : i32 to index
        %get3A_575 = arith.index_cast %mul3A_73 : i32 to index
        %get3A_576 = tpu.vector_load %arg6[%get3A_574, %get3A_575] {strides = array<i32>} : memref<32x1024xf32, #tpu.memory_space<vmem>>, vector<1x16xf32>,
        %get3A_577 = vector.shape_cast %get3A_576 : vector<1x16xf32> to vector<16xf32>
        %add3A_578 = arith.constant 26 : i32
        %add3A_579 = arith.addi %add3A_61, %add3A_578 : i32
        %eq3A_580 = vector.broadcast %add3A_579 : i32 to vector<16xi32>
        %eq3A_581 = arith.cmpi eq, %get3A_75, %eq3A_580 : vector<16xi32>
        %jit3A_582 = arith.constant 0.000000e+00 : f32
        %broadcast_in_dim3A_583 = vector.broadcast %jit3A_582 : f32 to vector<16xf32>
        %select_n3A_584 = arith.select %eq3A_581, %get3A_577, %broadcast_in_dim3A_583 : vector<16xi1>, vector<16xf32>
        %add3A_585 = arith.addf %add3A_566, %select_n3A_584 : vector<16xf32>
        %jit3A_586 = arith.constant -3.000000e+38 : f32
        %broadcast_in_dim3A_587 = vector.broadcast %jit3A_586 : f32 to vector<16xf32>
        %select_n3A_588 = arith.select %eq3A_581, %broadcast_in_dim3A_587, %get3A_577 : vector<16xi1>, vector<16xf32>
        %max3A_589 = arith.maximumf %max3A_570, %select_n3A_588 : vector<16xf32>
        %exp3A_590 = math.exp %get3A_577 : vector<16xf32>
        %add3A_591 = arith.addf %add3A_572, %exp3A_590 : vector<16xf32>
        %get3A_592 = arith.constant 27 : i32
        %get3A_593 = arith.index_cast %get3A_592 : i32 to index
        %get3A_594 = arith.index_cast %mul3A_73 : i32 to index
        %get3A_595 = tpu.vector_load %arg6[%get3A_593, %get3A_594] {strides = array<i32>} : memref<32x1024xf32, #tpu.memory_space<vmem>>, vector<1x16xf32>,
        %get3A_596 = vector.shape_cast %get3A_595 : vector<1x16xf32> to vector<16xf32>
        %add3A_597 = arith.constant 27 : i32
        %add3A_598 = arith.addi %add3A_61, %add3A_597 : i32
        %eq3A_599 = vector.broadcast %add3A_598 : i32 to vector<16xi32>
        %eq3A_600 = arith.cmpi eq, %get3A_75, %eq3A_599 : vector<16xi32>
        %jit3A_601 = arith.constant 0.000000e+00 : f32
        %broadcast_in_dim3A_602 = vector.broadcast %jit3A_601 : f32 to vector<16xf32>
        %select_n3A_603 = arith.select %eq3A_600, %get3A_596, %broadcast_in_dim3A_602 : vector<16xi1>, vector<16xf32>
        %add3A_604 = arith.addf %add3A_585, %select_n3A_603 : vector<16xf32>
        %jit3A_605 = arith.constant -3.000000e+38 : f32
        %broadcast_in_dim3A_606 = vector.broadcast %jit3A_605 : f32 to vector<16xf32>
        %select_n3A_607 = arith.select %eq3A_600, %broadcast_in_dim3A_606, %get3A_596 : vector<16xi1>, vector<16xf32>
        %max3A_608 = arith.maximumf %max3A_589, %select_n3A_607 : vector<16xf32>
        %exp3A_609 = math.exp %get3A_596 : vector<16xf32>
        %add3A_610 = arith.addf %add3A_591, %exp3A_609 : vector<16xf32>
        %get3A_611 = arith.constant 28 : i32
        %get3A_612 = arith.index_cast %get3A_611 : i32 to index
        %get3A_613 = arith.index_cast %mul3A_73 : i32 to index
        %get3A_614 = tpu.vector_load %arg6[%get3A_612, %get3A_613] {strides = array<i32>} : memref<32x1024xf32, #tpu.memory_space<vmem>>, vector<1x16xf32>,
        %get3A_615 = vector.shape_cast %get3A_614 : vector<1x16xf32> to vector<16xf32>
        %add3A_616 = arith.constant 28 : i32
        %add3A_617 = arith.addi %add3A_61, %add3A_616 : i32
        %eq3A_618 = vector.broadcast %add3A_617 : i32 to vector<16xi32>
        %eq3A_619 = arith.cmpi eq, %get3A_75, %eq3A_618 : vector<16xi32>
        %jit3A_620 = arith.constant 0.000000e+00 : f32
        %broadcast_in_dim3A_621 = vector.broadcast %jit3A_620 : f32 to vector<16xf32>
        %select_n3A_622 = arith.select %eq3A_619, %get3A_615, %broadcast_in_dim3A_621 : vector<16xi1>, vector<16xf32>
        %add3A_623 = arith.addf %add3A_604, %select_n3A_622 : vector<16xf32>
        %jit3A_624 = arith.constant -3.000000e+38 : f32
        %broadcast_in_dim3A_625 = vector.broadcast %jit3A_624 : f32 to vector<16xf32>
        %select_n3A_626 = arith.select %eq3A_619, %broadcast_in_dim3A_625, %get3A_615 : vector<16xi1>, vector<16xf32>
        %max3A_627 = arith.maximumf %max3A_608, %select_n3A_626 : vector<16xf32>
        %exp3A_628 = math.exp %get3A_615 : vector<16xf32>
        %add3A_629 = arith.addf %add3A_610, %exp3A_628 : vector<16xf32>
        %get3A_630 = arith.constant 29 : i32
        %get3A_631 = arith.index_cast %get3A_630 : i32 to index
        %get3A_632 = arith.index_cast %mul3A_73 : i32 to index
        %get3A_633 = tpu.vector_load %arg6[%get3A_631, %get3A_632] {strides = array<i32>} : memref<32x1024xf32, #tpu.memory_space<vmem>>, vector<1x16xf32>,
        %get3A_634 = vector.shape_cast %get3A_633 : vector<1x16xf32> to vector<16xf32>
        %add3A_635 = arith.constant 29 : i32
        %add3A_636 = arith.addi %add3A_61, %add3A_635 : i32
        %eq3A_637 = vector.broadcast %add3A_636 : i32 to vector<16xi32>
        %eq3A_638 = arith.cmpi eq, %get3A_75, %eq3A_637 : vector<16xi32>
        %jit3A_639 = arith.constant 0.000000e+00 : f32
        %broadcast_in_dim3A_640 = vector.broadcast %jit3A_639 : f32 to vector<16xf32>
        %select_n3A_641 = arith.select %eq3A_638, %get3A_634, %broadcast_in_dim3A_640 : vector<16xi1>, vector<16xf32>
        %add3A_642 = arith.addf %add3A_623, %select_n3A_641 : vector<16xf32>
        %jit3A_643 = arith.constant -3.000000e+38 : f32
        %broadcast_in_dim3A_644 = vector.broadcast %jit3A_643 : f32 to vector<16xf32>
        %select_n3A_645 = arith.select %eq3A_638, %broadcast_in_dim3A_644, %get3A_634 : vector<16xi1>, vector<16xf32>
        %max3A_646 = arith.maximumf %max3A_627, %select_n3A_645 : vector<16xf32>
        %exp3A_647 = math.exp %get3A_634 : vector<16xf32>
        %add3A_648 = arith.addf %add3A_629, %exp3A_647 : vector<16xf32>
        %get3A_649 = arith.constant 30 : i32
        %get3A_650 = arith.index_cast %get3A_649 : i32 to index
        %get3A_651 = arith.index_cast %mul3A_73 : i32 to index
        %get3A_652 = tpu.vector_load %arg6[%get3A_650, %get3A_651] {strides = array<i32>} : memref<32x1024xf32, #tpu.memory_space<vmem>>, vector<1x16xf32>,
        %get3A_653 = vector.shape_cast %get3A_652 : vector<1x16xf32> to vector<16xf32>
        %add3A_654 = arith.constant 30 : i32
        %add3A_655 = arith.addi %add3A_61, %add3A_654 : i32
        %eq3A_656 = vector.broadcast %add3A_655 : i32 to vector<16xi32>
        %eq3A_657 = arith.cmpi eq, %get3A_75, %eq3A_656 : vector<16xi32>
        %jit3A_658 = arith.constant 0.000000e+00 : f32
        %broadcast_in_dim3A_659 = vector.broadcast %jit3A_658 : f32 to vector<16xf32>
        %select_n3A_660 = arith.select %eq3A_657, %get3A_653, %broadcast_in_dim3A_659 : vector<16xi1>, vector<16xf32>
        %add3A_661 = arith.addf %add3A_642, %select_n3A_660 : vector<16xf32>
        %jit3A_662 = arith.constant -3.000000e+38 : f32
        %broadcast_in_dim3A_663 = vector.broadcast %jit3A_662 : f32 to vector<16xf32>
        %select_n3A_664 = arith.select %eq3A_657, %broadcast_in_dim3A_663, %get3A_653 : vector<16xi1>, vector<16xf32>
        %max3A_665 = arith.maximumf %max3A_646, %select_n3A_664 : vector<16xf32>
        %exp3A_666 = math.exp %get3A_653 : vector<16xf32>
        %add3A_667 = arith.addf %add3A_648, %exp3A_666 : vector<16xf32>
        %get3A_668 = arith.constant 31 : i32
        %get3A_669 = arith.index_cast %get3A_668 : i32 to index
        %get3A_670 = arith.index_cast %mul3A_73 : i32 to index
        %get3A_671 = tpu.vector_load %arg6[%get3A_669, %get3A_670] {strides = array<i32>} : memref<32x1024xf32, #tpu.memory_space<vmem>>, vector<1x16xf32>,
        %get3A_672 = vector.shape_cast %get3A_671 : vector<1x16xf32> to vector<16xf32>
        %add3A_673 = arith.constant 31 : i32
        %add3A_674 = arith.addi %add3A_61, %add3A_673 : i32
        %eq3A_675 = vector.broadcast %add3A_674 : i32 to vector<16xi32>
        %eq3A_676 = arith.cmpi eq, %get3A_75, %eq3A_675 : vector<16xi32>
        %jit3A_677 = arith.constant 0.000000e+00 : f32
        %broadcast_in_dim3A_678 = vector.broadcast %jit3A_677 : f32 to vector<16xf32>
        %select_n3A_679 = arith.select %eq3A_676, %get3A_672, %broadcast_in_dim3A_678 : vector<16xi1>, vector<16xf32>
        %add3A_680 = arith.addf %add3A_661, %select_n3A_679 : vector<16xf32>
        %jit3A_681 = arith.constant -3.000000e+38 : f32
        %broadcast_in_dim3A_682 = vector.broadcast %jit3A_681 : f32 to vector<16xf32>
        %select_n3A_683 = arith.select %eq3A_676, %broadcast_in_dim3A_682, %get3A_672 : vector<16xi1>, vector<16xf32>
        %max3A_684 = arith.maximumf %max3A_665, %select_n3A_683 : vector<16xf32>
        %exp3A_685 = math.exp %get3A_672 : vector<16xf32>
        %add3A_686 = arith.addf %add3A_667, %exp3A_685 : vector<16xf32>
        %swap3A = arith.index_cast %mul3A_73 : i32 to index
        %swap3A_687 = tpu.vector_load %arg8[%swap3A] {strides = array<i32>} : memref<1024xf32, #tpu.memory_space<vmem>>, vector<16xf32>,
        %swap3A_688 = vector.shape_cast %swap3A_687 : vector<16xf32> to vector<16xf32>
        %swap3A_689 = vector.shape_cast %add3A_686 : vector<16xf32> to vector<16xf32>
        tpu.vector_store %arg8[%swap3A], %swap3A_689 {strides = array<i32>} : memref<1024xf32, #tpu.memory_space<vmem>>, vector<16xf32>,
        %swap3A_690 = arith.index_cast %mul3A_73 : i32 to index
        %swap3A_691 = tpu.vector_load %arg9[%swap3A_690] {strides = array<i32>} : memref<1024xf32, #tpu.memory_space<vmem>>, vector<16xf32>,
        %swap3A_692 = vector.shape_cast %swap3A_691 : vector<16xf32> to vector<16xf32>
        %swap3A_693 = vector.shape_cast %add3A_680 : vector<16xf32> to vector<16xf32>
        tpu.vector_store %arg9[%swap3A_690], %swap3A_693 {strides = array<i32>} : memref<1024xf32, #tpu.memory_space<vmem>>, vector<16xf32>,
        %swap3A_694 = arith.index_cast %mul3A_73 : i32 to index
        %swap3A_695 = tpu.vector_load %arg10[%swap3A_694] {strides = array<i32>} : memref<1024xf32, #tpu.memory_space<vmem>>, vector<16xf32>,
        %swap3A_696 = vector.shape_cast %swap3A_695 : vector<16xf32> to vector<16xf32>
        %swap3A_697 = vector.shape_cast %max3A_684 : vector<16xf32> to vector<16xf32>
        tpu.vector_store %arg10[%swap3A_694], %swap3A_697 {strides = array<i32>} : memref<1024xf32, #tpu.memory_space<vmem>>, vector<16xf32>,
        %scan3A_698 = arith.constant 0 : i32
        scf.yield %scan3A_698 : i32
      }
      %scan3A_68 = arith.constant 64 : i32
      %scan3A_69 = arith.constant 0 : i32
      scf.yield %scan3A_69 : i32
    }
    %scan3A_20 = arith.constant 19 : i32
    %run_scoped3A = arith.constant 0 : i32
    "tpu.region"() ({
      %run_scoped3A_23 = tpu.sem_alloc : memref<!tpu.dma_semaphore, #tpu.memory_space<semaphore_mem>>
      %dma_start3A_24 = arith.constant 0 : i32
      %dma_start3A_25 = tpu.memref_slice %arg4[%run_scoped3A, %add3A, %dma_start3A_24] : memref<3x32x1024xf32, #tpu.memory_space<hbm>> -> memref<1x1x1024xf32, #tpu.memory_space<hbm>>
      %dma_start3A_26 = tpu.memref_squeeze %dma_start3A_25 : memref<1x1x1024xf32, #tpu.memory_space<hbm>> -> memref<1024xf32, #tpu.memory_space<hbm>>
      %dma_start3A_27 = arith.constant 0 : i32
      %dma_start3A_28 = tpu.memref_slice %arg4[%run_scoped3A, %add3A, %dma_start3A_27] : memref<3x32x1024xf32, #tpu.memory_space<hbm>> -> memref<1x1x1024xf32, #tpu.memory_space<hbm>>
      %dma_start3A_29 = tpu.memref_squeeze %dma_start3A_28 : memref<1x1x1024xf32, #tpu.memory_space<hbm>> -> memref<1024xf32, #tpu.memory_space<hbm>>
      tpu.enqueue_dma source(%arg8 : memref<1024xf32, #tpu.memory_space<vmem>>) target(%dma_start3A_29 : memref<1024xf32, #tpu.memory_space<hbm>>) target_semaphore(%run_scoped3A_23 : memref<!tpu.dma_semaphore, #tpu.memory_space<semaphore_mem>>)
      %dma_wait3A = arith.constant 0 : i32
      %dma_wait3A_30 = tpu.memref_slice %arg4[%run_scoped3A, %add3A, %dma_wait3A] : memref<3x32x1024xf32, #tpu.memory_space<hbm>> -> memref<1x1x1024xf32, #tpu.memory_space<hbm>>
      %dma_wait3A_31 = tpu.memref_squeeze %dma_wait3A_30 : memref<1x1x1024xf32, #tpu.memory_space<hbm>> -> memref<1024xf32, #tpu.memory_space<hbm>>
      %dma_wait3A_32 = arith.constant 0 : i32
      %dma_wait3A_33 = tpu.memref_slice %arg4[%run_scoped3A, %add3A, %dma_wait3A_32] : memref<3x32x1024xf32, #tpu.memory_space<hbm>> -> memref<1x1x1024xf32, #tpu.memory_space<hbm>>
      %dma_wait3A_34 = tpu.memref_squeeze %dma_wait3A_33 : memref<1x1x1024xf32, #tpu.memory_space<hbm>> -> memref<1024xf32, #tpu.memory_space<hbm>>
      tpu.wait_dma2 semaphore(%run_scoped3A_23 : memref<!tpu.dma_semaphore, #tpu.memory_space<semaphore_mem>>) src(%arg8 : memref<1024xf32, #tpu.memory_space<vmem>>) dst(%dma_wait3A_34 : memref<1024xf32, #tpu.memory_space<hbm>>)
      tpu.yield
    }) : () -> ()
    %run_scoped3A_21 = arith.constant 1 : i32
    "tpu.region"() ({
      %run_scoped3A_23 = tpu.sem_alloc : memref<!tpu.dma_semaphore, #tpu.memory_space<semaphore_mem>>
      %dma_start3A_24 = arith.constant 0 : i32
      %dma_start3A_25 = tpu.memref_slice %arg4[%run_scoped3A_21, %add3A, %dma_start3A_24] : memref<3x32x1024xf32, #tpu.memory_space<hbm>> -> memref<1x1x1024xf32, #tpu.memory_space<hbm>>
      %dma_start3A_26 = tpu.memref_squeeze %dma_start3A_25 : memref<1x1x1024xf32, #tpu.memory_space<hbm>> -> memref<1024xf32, #tpu.memory_space<hbm>>
      %dma_start3A_27 = arith.constant 0 : i32
      %dma_start3A_28 = tpu.memref_slice %arg4[%run_scoped3A_21, %add3A, %dma_start3A_27] : memref<3x32x1024xf32, #tpu.memory_space<hbm>> -> memref<1x1x1024xf32, #tpu.memory_space<hbm>>
      %dma_start3A_29 = tpu.memref_squeeze %dma_start3A_28 : memref<1x1x1024xf32, #tpu.memory_space<hbm>> -> memref<1024xf32, #tpu.memory_space<hbm>>
      tpu.enqueue_dma source(%arg9 : memref<1024xf32, #tpu.memory_space<vmem>>) target(%dma_start3A_29 : memref<1024xf32, #tpu.memory_space<hbm>>) target_semaphore(%run_scoped3A_23 : memref<!tpu.dma_semaphore, #tpu.memory_space<semaphore_mem>>)
      %dma_wait3A = arith.constant 0 : i32
      %dma_wait3A_30 = tpu.memref_slice %arg4[%run_scoped3A_21, %add3A, %dma_wait3A] : memref<3x32x1024xf32, #tpu.memory_space<hbm>> -> memref<1x1x1024xf32, #tpu.memory_space<hbm>>
      %dma_wait3A_31 = tpu.memref_squeeze %dma_wait3A_30 : memref<1x1x1024xf32, #tpu.memory_space<hbm>> -> memref<1024xf32, #tpu.memory_space<hbm>>
      %dma_wait3A_32 = arith.constant 0 : i32
      %dma_wait3A_33 = tpu.memref_slice %arg4[%run_scoped3A_21, %add3A, %dma_wait3A_32] : memref<3x32x1024xf32, #tpu.memory_space<hbm>> -> memref<1x1x1024xf32, #tpu.memory_space<hbm>>
      %dma_wait3A_34 = tpu.memref_squeeze %dma_wait3A_33 : memref<1x1x1024xf32, #tpu.memory_space<hbm>> -> memref<1024xf32, #tpu.memory_space<hbm>>
      tpu.wait_dma2 semaphore(%run_scoped3A_23 : memref<!tpu.dma_semaphore, #tpu.memory_space<semaphore_mem>>) src(%arg9 : memref<1024xf32, #tpu.memory_space<vmem>>) dst(%dma_wait3A_34 : memref<1024xf32, #tpu.memory_space<hbm>>)
      tpu.yield
    }) : () -> ()
    %run_scoped3A_22 = arith.constant 2 : i32
    "tpu.region"() ({
      %run_scoped3A_23 = tpu.sem_alloc : memref<!tpu.dma_semaphore, #tpu.memory_space<semaphore_mem>>
      %dma_start3A_24 = arith.constant 0 : i32
      %dma_start3A_25 = tpu.memref_slice %arg4[%run_scoped3A_22, %add3A, %dma_start3A_24] : memref<3x32x1024xf32, #tpu.memory_space<hbm>> -> memref<1x1x1024xf32, #tpu.memory_space<hbm>>
      %dma_start3A_26 = tpu.memref_squeeze %dma_start3A_25 : memref<1x1x1024xf32, #tpu.memory_space<hbm>> -> memref<1024xf32, #tpu.memory_space<hbm>>
      %dma_start3A_27 = arith.constant 0 : i32
      %dma_start3A_28 = tpu.memref_slice %arg4[%run_scoped3A_22, %add3A, %dma_start3A_27] : memref<3x32x1024xf32, #tpu.memory_space<hbm>> -> memref<1x1x1024xf32, #tpu.memory_space<hbm>>
      %dma_start3A_29 = tpu.memref_squeeze %dma_start3A_28 : memref<1x1x1024xf32, #tpu.memory_space<hbm>> -> memref<1024xf32, #tpu.memory_space<hbm>>
      tpu.enqueue_dma source(%arg10 : memref<1024xf32, #tpu.memory_space<vmem>>) target(%dma_start3A_29 : memref<1024xf32, #tpu.memory_space<hbm>>) target_semaphore(%run_scoped3A_23 : memref<!tpu.dma_semaphore, #tpu.memory_space<semaphore_mem>>)
      %dma_wait3A = arith.constant 0 : i32
      %dma_wait3A_30 = tpu.memref_slice %arg4[%run_scoped3A_22, %add3A, %dma_wait3A] : memref<3x32x1024xf32, #tpu.memory_space<hbm>> -> memref<1x1x1024xf32, #tpu.memory_space<hbm>>
      %dma_wait3A_31 = tpu.memref_squeeze %dma_wait3A_30 : memref<1x1x1024xf32, #tpu.memory_space<hbm>> -> memref<1024xf32, #tpu.memory_space<hbm>>
      %dma_wait3A_32 = arith.constant 0 : i32
      %dma_wait3A_33 = tpu.memref_slice %arg4[%run_scoped3A_22, %add3A, %dma_wait3A_32] : memref<3x32x1024xf32, #tpu.memory_space<hbm>> -> memref<1x1x1024xf32, #tpu.memory_space<hbm>>
      %dma_wait3A_34 = tpu.memref_squeeze %dma_wait3A_33 : memref<1x1x1024xf32, #tpu.memory_space<hbm>> -> memref<1024xf32, #tpu.memory_space<hbm>>
      tpu.wait_dma2 semaphore(%run_scoped3A_23 : memref<!tpu.dma_semaphore, #tpu.memory_space<semaphore_mem>>) src(%arg10 : memref<1024xf32, #tpu.memory_space<vmem>>) dst(%dma_wait3A_34 : memref<1024xf32, #tpu.memory_space<hbm>>)
      tpu.yield
    }) : () -> ()
    return
  }
}

module attributes {stable_mosaic.version = 14 : i64} {
  func.func @_merge_body(%arg0: memref<1x1024xf32, #tpu.memory_space<vmem>>, %arg1: memref<1x1024xf32, #tpu.memory_space<vmem>>, %arg2: memref<1x1024xf32, #tpu.memory_space<vmem>>, %arg3: memref<3x32x1024xf32, #tpu.memory_space<vmem>>, %arg4: memref<1x1024xf32, #tpu.memory_space<vmem>>, %arg5: memref<1x1024xf32, #tpu.memory_space<vmem>>) attributes {dimension_semantics = [], scalar_prefetch = 0 : i64, scratch_operands = 0 : i64, tpu.core_type = #tpu.core_type<tc>} {
    %get3A = arith.constant 0 : index
    %get3A_0 = arith.constant 0 : index
    %get3A_1 = arith.constant 0 : index
    %get3A_2 = vector.load %arg3[%get3A, %get3A_0, %get3A_1] : memref<3x32x1024xf32, #tpu.memory_space<vmem>>, vector<3x32x1024xf32>
    %get3A_3 = arith.constant 0 : index
    %get3A_4 = arith.constant 0 : index
    %get3A_5 = vector.load %arg0[%get3A_3, %get3A_4] : memref<1x1024xf32, #tpu.memory_space<vmem>>, vector<1x1024xf32>
    %slice3A = vector.extract_strided_slice %get3A_2 {offsets = [0, 0, 0], sizes = [1, 32, 1024], strides = [1, 1, 1]} : vector<3x32x1024xf32> to vector<1x32x1024xf32>
    %squeeze3A = vector.shape_cast %slice3A : vector<1x32x1024xf32> to vector<32x1024xf32>
    %reduce_sum3A = arith.constant dense<0.000000e+00> : vector<1024xf32>
    %reduce_sum3A_6 = vector.multi_reduction <add>, %squeeze3A, %reduce_sum3A [0] : vector<32x1024xf32> to vector<1024xf32>
    %broadcast_in_dim3A = vector.shape_cast %reduce_sum3A_6 : vector<1024xf32> to vector<1x1024xf32>
    %add3A = arith.addf %get3A_5, %broadcast_in_dim3A : vector<1x1024xf32>
    %get3A_7 = arith.constant 0 : index
    %get3A_8 = arith.constant 0 : index
    %get3A_9 = vector.load %arg1[%get3A_7, %get3A_8] : memref<1x1024xf32, #tpu.memory_space<vmem>>, vector<1x1024xf32>
    %slice3A_10 = vector.extract_strided_slice %get3A_2 {offsets = [1, 0, 0], sizes = [1, 32, 1024], strides = [1, 1, 1]} : vector<3x32x1024xf32> to vector<1x32x1024xf32>
    %squeeze3A_11 = vector.shape_cast %slice3A_10 : vector<1x32x1024xf32> to vector<32x1024xf32>
    %reduce_sum3A_12 = arith.constant dense<0.000000e+00> : vector<1024xf32>
    %reduce_sum3A_13 = vector.multi_reduction <add>, %squeeze3A_11, %reduce_sum3A_12 [0] : vector<32x1024xf32> to vector<1024xf32>
    %broadcast_in_dim3A_14 = vector.shape_cast %reduce_sum3A_13 : vector<1024xf32> to vector<1x1024xf32>
    %add3A_15 = arith.addf %get3A_9, %broadcast_in_dim3A_14 : vector<1x1024xf32>
    %get3A_16 = arith.constant 0 : index
    %get3A_17 = arith.constant 0 : index
    %get3A_18 = vector.load %arg2[%get3A_16, %get3A_17] : memref<1x1024xf32, #tpu.memory_space<vmem>>, vector<1x1024xf32>
    %slice3A_19 = vector.extract_strided_slice %get3A_2 {offsets = [2, 0, 0], sizes = [1, 32, 1024], strides = [1, 1, 1]} : vector<3x32x1024xf32> to vector<1x32x1024xf32>
    %squeeze3A_20 = vector.shape_cast %slice3A_19 : vector<1x32x1024xf32> to vector<32x1024xf32>
    %reduce_max3A = arith.constant dense<0xFF800000> : vector<1024xf32>
    %reduce_max3A_21 = vector.multi_reduction <maximumf>, %squeeze3A_20, %reduce_max3A [0] : vector<32x1024xf32> to vector<1024xf32>
    %broadcast_in_dim3A_22 = vector.shape_cast %reduce_max3A_21 : vector<1024xf32> to vector<1x1024xf32>
    %max3A = arith.maximumf %get3A_18, %broadcast_in_dim3A_22 : vector<1x1024xf32>
    %log3A = math.log %add3A : vector<1x1024xf32>
    %sub3A = arith.subf %log3A, %add3A_15 : vector<1x1024xf32>
    %swap3A = arith.constant 0 : index
    %swap3A_23 = arith.constant 0 : index
    %swap3A_24 = vector.load %arg4[%swap3A, %swap3A_23] : memref<1x1024xf32, #tpu.memory_space<vmem>>, vector<1x1024xf32>
    tpu.vector_store %arg4[%swap3A, %swap3A_23], %sub3A {strides = array<i32>} : memref<1x1024xf32, #tpu.memory_space<vmem>>, vector<1x1024xf32>,
    %sub3A_25 = arith.subf %add3A_15, %max3A : vector<1x1024xf32>
    %swap3A_26 = arith.constant 0 : index
    %swap3A_27 = arith.constant 0 : index
    %swap3A_28 = vector.load %arg5[%swap3A_26, %swap3A_27] : memref<1x1024xf32, #tpu.memory_space<vmem>>, vector<1x1024xf32>
    tpu.vector_store %arg5[%swap3A_26, %swap3A_27], %sub3A_25 {strides = array<i32>} : memref<1x1024xf32, #tpu.memory_space<vmem>>, vector<1x1024xf32>,
    return
  }
}

module attributes {stable_mosaic.version = 14 : i64} {
  func.func @_finalize_body(%arg0: memref<1x1024xf32, #tpu.memory_space<vmem>>, %arg1: memref<1024x1xf32, #tpu.memory_space<vmem>>, %arg2: memref<1x1024xf32, #tpu.memory_space<vmem>>, %arg3: memref<1x128xf32, #tpu.memory_space<vmem>>) attributes {dimension_semantics = [], scalar_prefetch = 0 : i64, scratch_operands = 0 : i64, tpu.core_type = #tpu.core_type<tc>} {
    %get3A = arith.constant 0 : index
    %get3A_0 = arith.constant 0 : index
    %get3A_1 = vector.load %arg0[%get3A, %get3A_0] : memref<1x1024xf32, #tpu.memory_space<vmem>>, vector<1x1024xf32>
    %get3A_2 = arith.constant 0 : index
    %get3A_3 = arith.constant 0 : index
    %get3A_4 = vector.load %arg1[%get3A_2, %get3A_3] : memref<1024x1xf32, #tpu.memory_space<vmem>>, vector<1024x1xf32>
    %get3A_5 = arith.constant 0 : index
    %get3A_6 = arith.constant 0 : index
    %get3A_7 = vector.load %arg2[%get3A_5, %get3A_6] : memref<1x1024xf32, #tpu.memory_space<vmem>>, vector<1x1024xf32>
    %lt3A = vector.broadcast %get3A_7 : vector<1x1024xf32> to vector<1024x1024xf32>
    %lt3A_8 = vector.broadcast %get3A_4 : vector<1024x1xf32> to vector<1024x1024xf32>
    %lt3A_9 = arith.cmpf olt, %lt3A, %lt3A_8 : vector<1024x1024xf32>
    %convert_element_type3A = arith.extui %lt3A_9 : vector<1024x1024xi1> to vector<1024x1024xi32>
    %convert_element_type3A_10 = arith.sitofp %convert_element_type3A : vector<1024x1024xi32> to vector<1024x1024xf32>
    %reduce_sum3A = arith.constant dense<0.000000e+00> : vector<1024xf32>
    %reduce_sum3A_11 = vector.multi_reduction <add>, %convert_element_type3A_10, %reduce_sum3A [1] : vector<1024x1024xf32> to vector<1024xf32>
    %broadcast_in_dim3A = vector.shape_cast %reduce_sum3A_11 : vector<1024xf32> to vector<1024x1xf32>
    %le3A = vector.broadcast %get3A_7 : vector<1x1024xf32> to vector<1024x1024xf32>
    %le3A_12 = vector.broadcast %get3A_4 : vector<1024x1xf32> to vector<1024x1024xf32>
    %le3A_13 = arith.cmpf ole, %le3A, %le3A_12 : vector<1024x1024xf32>
    %convert_element_type3A_14 = arith.extui %le3A_13 : vector<1024x1024xi1> to vector<1024x1024xi32>
    %convert_element_type3A_15 = arith.sitofp %convert_element_type3A_14 : vector<1024x1024xi32> to vector<1024x1024xf32>
    %reduce_sum3A_16 = arith.constant dense<0.000000e+00> : vector<1024xf32>
    %reduce_sum3A_17 = vector.multi_reduction <add>, %convert_element_type3A_15, %reduce_sum3A_16 [1] : vector<1024x1024xf32> to vector<1024xf32>
    %broadcast_in_dim3A_18 = vector.shape_cast %reduce_sum3A_17 : vector<1024xf32> to vector<1024x1xf32>
    %le3A_19 = arith.constant 1.020000e+02 : f32
    %le3A_20 = vector.broadcast %le3A_19 : f32 to vector<1024x1xf32>
    %le3A_21 = arith.cmpf ole, %broadcast_in_dim3A, %le3A_20 : vector<1024x1xf32>
    %gt3A = arith.constant 1.020000e+02 : f32
    %gt3A_22 = vector.broadcast %gt3A : f32 to vector<1024x1xf32>
    %gt3A_23 = arith.cmpf ogt, %broadcast_in_dim3A_18, %gt3A_22 : vector<1024x1xf32>
    %and3A = arith.andi %le3A_21, %gt3A_23 : vector<1024x1xi1>
    %jit3A = arith.constant 0xFF800000 : f32
    %broadcast_in_dim3A_24 = vector.broadcast %jit3A : f32 to vector<1024x1xf32>
    %select_n3A = arith.select %and3A, %get3A_4, %broadcast_in_dim3A_24 : vector<1024x1xi1>, vector<1024x1xf32>
    %reduce_max3A = vector.shape_cast %select_n3A : vector<1024x1xf32> to vector<1x1024x1xf32>
    %reduce_max3A_25 = arith.constant dense<0xFF800000> : vector<1xf32>
    %reduce_max3A_26 = vector.multi_reduction <maximumf>, %reduce_max3A, %reduce_max3A_25 [1, 2] : vector<1x1024x1xf32> to vector<1xf32>
    %reduce_max3A_27 = vector.shape_cast %reduce_max3A_26 : vector<1xf32> to vector<1x1x1xf32>
    %reduce_max3A_28 = vector.extract %reduce_max3A_27[0, 0, 0] : f32 from vector<1x1x1xf32>
    %le3A_29 = arith.constant 1.030000e+02 : f32
    %le3A_30 = vector.broadcast %le3A_29 : f32 to vector<1024x1xf32>
    %le3A_31 = arith.cmpf ole, %broadcast_in_dim3A, %le3A_30 : vector<1024x1xf32>
    %gt3A_32 = arith.constant 1.030000e+02 : f32
    %gt3A_33 = vector.broadcast %gt3A_32 : f32 to vector<1024x1xf32>
    %gt3A_34 = arith.cmpf ogt, %broadcast_in_dim3A_18, %gt3A_33 : vector<1024x1xf32>
    %and3A_35 = arith.andi %le3A_31, %gt3A_34 : vector<1024x1xi1>
    %jit3A_36 = arith.constant 0xFF800000 : f32
    %broadcast_in_dim3A_37 = vector.broadcast %jit3A_36 : f32 to vector<1024x1xf32>
    %select_n3A_38 = arith.select %and3A_35, %get3A_4, %broadcast_in_dim3A_37 : vector<1024x1xi1>, vector<1024x1xf32>
    %reduce_max3A_39 = vector.shape_cast %select_n3A_38 : vector<1024x1xf32> to vector<1x1024x1xf32>
    %reduce_max3A_40 = arith.constant dense<0xFF800000> : vector<1xf32>
    %reduce_max3A_41 = vector.multi_reduction <maximumf>, %reduce_max3A_39, %reduce_max3A_40 [1, 2] : vector<1x1024x1xf32> to vector<1xf32>
    %reduce_max3A_42 = vector.shape_cast %reduce_max3A_41 : vector<1xf32> to vector<1x1x1xf32>
    %reduce_max3A_43 = vector.extract %reduce_max3A_42[0, 0, 0] : f32 from vector<1x1x1xf32>
    %sub3A = arith.subf %reduce_max3A_43, %reduce_max3A_28 : f32
    %mul3A = arith.constant 3.000000e-01 : f32
    %mul3A_44 = arith.mulf %mul3A, %sub3A : f32
    %add3A = arith.addf %reduce_max3A_28, %mul3A_44 : f32
    %sub3A_45 = vector.broadcast %add3A : f32 to vector<1024x1xf32>
    %sub3A_46 = arith.subf %get3A_4, %sub3A_45 : vector<1024x1xf32>
    %neg3A = arith.constant 0.000000e+00 : f32
    %neg3A_47 = vector.broadcast %neg3A : f32 to vector<1024x1xf32>
    %neg3A_48 = arith.subf %neg3A_47, %sub3A_46 : vector<1024x1xf32>
    %exp3A = math.exp %neg3A_48 : vector<1024x1xf32>
    %add3A_49 = arith.constant 1.000000e+00 : f32
    %add3A_50 = vector.broadcast %add3A_49 : f32 to vector<1024x1xf32>
    %add3A_51 = arith.addf %add3A_50, %exp3A : vector<1024x1xf32>
    %div3A = arith.constant 1.000000e+00 : f32
    %div3A_52 = vector.broadcast %div3A : f32 to vector<1024x1xf32>
    %div3A_53 = arith.divf %div3A_52, %add3A_51 : vector<1024x1xf32>
    %mul3A_54 = arith.mulf %div3A_53, %get3A_4 : vector<1024x1xf32>
    %reduce_sum3A_55 = vector.shape_cast %mul3A_54 : vector<1024x1xf32> to vector<1x1024x1xf32>
    %reduce_sum3A_56 = arith.constant dense<0.000000e+00> : vector<1xf32>
    %reduce_sum3A_57 = vector.multi_reduction <add>, %reduce_sum3A_55, %reduce_sum3A_56 [1, 2] : vector<1x1024x1xf32> to vector<1xf32>
    %reduce_sum3A_58 = vector.shape_cast %reduce_sum3A_57 : vector<1xf32> to vector<1x1x1xf32>
    %reduce_sum3A_59 = vector.extract %reduce_sum3A_58[0, 0, 0] : f32 from vector<1x1x1xf32>
    %reduce_sum3A_60 = vector.shape_cast %div3A_53 : vector<1024x1xf32> to vector<1x1024x1xf32>
    %reduce_sum3A_61 = arith.constant dense<0.000000e+00> : vector<1xf32>
    %reduce_sum3A_62 = vector.multi_reduction <add>, %reduce_sum3A_60, %reduce_sum3A_61 [1, 2] : vector<1x1024x1xf32> to vector<1xf32>
    %reduce_sum3A_63 = vector.shape_cast %reduce_sum3A_62 : vector<1xf32> to vector<1x1x1xf32>
    %reduce_sum3A_64 = vector.extract %reduce_sum3A_63[0, 0, 0] : f32 from vector<1x1x1xf32>
    %add3A_65 = arith.constant 9.99999993E-9 : f32
    %add3A_66 = arith.addf %reduce_sum3A_64, %add3A_65 : f32
    %div3A_67 = arith.divf %reduce_sum3A_59, %add3A_66 : f32
    %reduce_sum3A_68 = vector.shape_cast %get3A_1 : vector<1x1024xf32> to vector<1x1x1024xf32>
    %reduce_sum3A_69 = arith.constant dense<0.000000e+00> : vector<1xf32>
    %reduce_sum3A_70 = vector.multi_reduction <add>, %reduce_sum3A_68, %reduce_sum3A_69 [1, 2] : vector<1x1x1024xf32> to vector<1xf32>
    %reduce_sum3A_71 = vector.shape_cast %reduce_sum3A_70 : vector<1xf32> to vector<1x1x1xf32>
    %reduce_sum3A_72 = vector.extract %reduce_sum3A_71[0, 0, 0] : f32 from vector<1x1x1xf32>
    %mul3A_73 = arith.constant 9.765625E-4 : f32
    %mul3A_74 = arith.mulf %reduce_sum3A_72, %mul3A_73 : f32
    %broadcast_in_dim3A_75 = arith.constant 0.000000e+00 : f32
    %broadcast_in_dim3A_76 = vector.broadcast %broadcast_in_dim3A_75 : f32 to vector<1x128xf32>
    %iota3A = tpu.iota {dimensions = array<i32: 1>} : vector<1x128xi32>
    %eq3A = arith.constant 0 : i32
    %eq3A_77 = vector.broadcast %eq3A : i32 to vector<1x128xi32>
    %eq3A_78 = arith.cmpi eq, %iota3A, %eq3A_77 : vector<1x128xi32>
    %broadcast_in_dim3A_79 = vector.broadcast %mul3A_74 : f32 to vector<1x128xf32>
    %select_n3A_80 = arith.select %eq3A_78, %broadcast_in_dim3A_79, %broadcast_in_dim3A_76 : vector<1x128xi1>, vector<1x128xf32>
    %eq3A_81 = arith.constant 1 : i32
    %eq3A_82 = vector.broadcast %eq3A_81 : i32 to vector<1x128xi32>
    %eq3A_83 = arith.cmpi eq, %iota3A, %eq3A_82 : vector<1x128xi32>
    %mul3A_84 = arith.constant -1.000000e-01 : f32
    %mul3A_85 = arith.mulf %mul3A_84, %div3A_67 : f32
    %broadcast_in_dim3A_86 = vector.broadcast %mul3A_85 : f32 to vector<1x128xf32>
    %select_n3A_87 = arith.select %eq3A_83, %broadcast_in_dim3A_86, %select_n3A_80 : vector<1x128xi1>, vector<1x128xf32>
    %eq3A_88 = arith.constant 2 : i32
    %eq3A_89 = vector.broadcast %eq3A_88 : i32 to vector<1x128xi32>
    %eq3A_90 = arith.cmpi eq, %iota3A, %eq3A_89 : vector<1x128xi32>
    %mul3A_91 = arith.constant 1.000000e-01 : f32
    %mul3A_92 = arith.mulf %mul3A_91, %div3A_67 : f32
    %sub3A_93 = arith.subf %mul3A_74, %mul3A_92 : f32
    %broadcast_in_dim3A_94 = vector.broadcast %sub3A_93 : f32 to vector<1x128xf32>
    %select_n3A_95 = arith.select %eq3A_90, %broadcast_in_dim3A_94, %select_n3A_87 : vector<1x128xi1>, vector<1x128xf32>
    %swap3A = arith.constant 0 : index
    %swap3A_96 = arith.constant 0 : index
    %swap3A_97 = vector.load %arg3[%swap3A, %swap3A_96] : memref<1x128xf32, #tpu.memory_space<vmem>>, vector<1x128xf32>
    tpu.vector_store %arg3[%swap3A, %swap3A_96], %select_n3A_95 {strides = array<i32>} : memref<1x128xf32, #tpu.memory_space<vmem>>, vector<1x128xf32>,
    return
  }
}

module attributes {stable_mosaic.version = 14 : i64} {
  func.func @_tc_stream_body(%arg0: i32, %arg1: memref<1024x1024xf32, #tpu.memory_space<vmem>>, %arg2: memref<1x1024xi32, #tpu.memory_space<vmem>>, %arg3: memref<1x1024xf32, #tpu.memory_space<vmem>>, %arg4: memref<1x1024xf32, #tpu.memory_space<vmem>>, %arg5: memref<1x1024xf32, #tpu.memory_space<vmem>>) attributes {dimension_semantics = [#tpu.dimension_semantics<arbitrary>], iteration_bounds = array<i64: 60>, scalar_prefetch = 0 : i64, scratch_operands = 0 : i64, tpu.core_type = #tpu.core_type<tc>, window_params = [{transform_indices = @transform_0, window_bounds = array<i64: 1024, 1024>}, {pipeline_mode = #tpu.pipeline_mode<synchronous>, transform_indices = @transform_1, window_bounds = array<i64: 1, 1024>}, {pipeline_mode = #tpu.pipeline_mode<synchronous>, transform_indices = @transform_2, window_bounds = array<i64: 1, 1024>}, {pipeline_mode = #tpu.pipeline_mode<synchronous>, transform_indices = @transform_3, window_bounds = array<i64: 1, 1024>}, {pipeline_mode = #tpu.pipeline_mode<synchronous>, transform_indices = @transform_4, window_bounds = array<i64: 1, 1024>}]} {
    %eq3A = arith.constant 0 : i32
    %eq3A_0 = arith.cmpi eq, %arg0, %eq3A : i32
    %convert_element_type3A = arith.extui %eq3A_0 : i1 to i32
    %cond3A = arith.constant 0 : i32
    %cond3A_1 = arith.cmpi ne, %convert_element_type3A, %cond3A : i32
    scf.if %cond3A_1 {
      %broadcast_in_dim3A_31 = arith.constant 0.000000e+00 : f32
      %broadcast_in_dim3A_32 = vector.broadcast %broadcast_in_dim3A_31 : f32 to vector<1x1024xf32>
      %swap3A_33 = arith.constant 0 : index
      %swap3A_34 = arith.constant 0 : index
      %swap3A_35 = vector.load %arg3[%swap3A_33, %swap3A_34] : memref<1x1024xf32, #tpu.memory_space<vmem>>, vector<1x1024xf32>
      tpu.vector_store %arg3[%swap3A_33, %swap3A_34], %broadcast_in_dim3A_32 {strides = array<i32>} : memref<1x1024xf32, #tpu.memory_space<vmem>>, vector<1x1024xf32>,
      %broadcast_in_dim3A_36 = arith.constant 0.000000e+00 : f32
      %broadcast_in_dim3A_37 = vector.broadcast %broadcast_in_dim3A_36 : f32 to vector<1x1024xf32>
      %swap3A_38 = arith.constant 0 : index
      %swap3A_39 = arith.constant 0 : index
      %swap3A_40 = vector.load %arg4[%swap3A_38, %swap3A_39] : memref<1x1024xf32, #tpu.memory_space<vmem>>, vector<1x1024xf32>
      tpu.vector_store %arg4[%swap3A_38, %swap3A_39], %broadcast_in_dim3A_37 {strides = array<i32>} : memref<1x1024xf32, #tpu.memory_space<vmem>>, vector<1x1024xf32>,
      %broadcast_in_dim3A_41 = arith.constant 0xFF800000 : f32
      %broadcast_in_dim3A_42 = vector.broadcast %broadcast_in_dim3A_41 : f32 to vector<1x1024xf32>
      %swap3A_43 = arith.constant 0 : index
      %swap3A_44 = arith.constant 0 : index
      %swap3A_45 = vector.load %arg5[%swap3A_43, %swap3A_44] : memref<1x1024xf32, #tpu.memory_space<vmem>>, vector<1x1024xf32>
      tpu.vector_store %arg5[%swap3A_43, %swap3A_44], %broadcast_in_dim3A_42 {strides = array<i32>} : memref<1x1024xf32, #tpu.memory_space<vmem>>, vector<1x1024xf32>,
    } else {
    }
    %get3A = arith.constant 0 : index
    %get3A_2 = arith.constant 0 : index
    %get3A_3 = vector.load %arg1[%get3A, %get3A_2] : memref<1024x1024xf32, #tpu.memory_space<vmem>>, vector<1024x1024xf32>
    %get3A_4 = arith.constant 0 : index
    %get3A_5 = arith.constant 0 : index
    %get3A_6 = vector.load %arg2[%get3A_4, %get3A_5] : memref<1x1024xi32, #tpu.memory_space<vmem>>, vector<1x1024xi32>
    %add3A = arith.constant 38 : i32
    %add3A_7 = arith.addi %add3A, %arg0 : i32
    %mul3A = arith.constant 1024 : i32
    %mul3A_8 = arith.muli %add3A_7, %mul3A : i32
    %iota3A = tpu.iota {dimensions = array<i32: 0>} : vector<1024x1xi32>
    %add3A_9 = vector.broadcast %mul3A_8 : i32 to vector<1024x1xi32>
    %add3A_10 = arith.addi %add3A_9, %iota3A : vector<1024x1xi32>
    %eq3A_11 = vector.broadcast %add3A_10 : vector<1024x1xi32> to vector<1024x1024xi32>
    %eq3A_12 = vector.broadcast %get3A_6 : vector<1x1024xi32> to vector<1024x1024xi32>
    %eq3A_13 = arith.cmpi eq, %eq3A_11, %eq3A_12 : vector<1024x1024xi32>
    %get3A_14 = arith.constant 0 : index
    %get3A_15 = arith.constant 0 : index
    %get3A_16 = vector.load %arg4[%get3A_14, %get3A_15] : memref<1x1024xf32, #tpu.memory_space<vmem>>, vector<1x1024xf32>
    %jit3A = arith.constant 0.000000e+00 : f32
    %broadcast_in_dim3A = vector.broadcast %jit3A : f32 to vector<1024x1024xf32>
    %select_n3A = arith.select %eq3A_13, %get3A_3, %broadcast_in_dim3A : vector<1024x1024xi1>, vector<1024x1024xf32>
    %reduce_sum3A = arith.constant dense<0.000000e+00> : vector<1024xf32>
    %reduce_sum3A_17 = vector.multi_reduction <add>, %select_n3A, %reduce_sum3A [0] : vector<1024x1024xf32> to vector<1024xf32>
    %broadcast_in_dim3A_18 = vector.shape_cast %reduce_sum3A_17 : vector<1024xf32> to vector<1x1024xf32>
    %add3A_19 = arith.addf %get3A_16, %broadcast_in_dim3A_18 : vector<1x1024xf32>
    %swap3A = arith.constant 0 : index
    %swap3A_20 = arith.constant 0 : index
    %swap3A_21 = vector.load %arg4[%swap3A, %swap3A_20] : memref<1x1024xf32, #tpu.memory_space<vmem>>, vector<1x1024xf32>
    tpu.vector_store %arg4[%swap3A, %swap3A_20], %add3A_19 {strides = array<i32>} : memref<1x1024xf32, #tpu.memory_space<vmem>>, vector<1x1024xf32>,
    %lt3A = arith.constant 59 : i32
    %lt3A_22 = arith.cmpi slt, %arg0, %lt3A : i32
    %convert_element_type3A_23 = arith.extui %lt3A_22 : i1 to i32
    %cond3A_24 = arith.constant 0 : i32
    %cond3A_25 = arith.cmpi ne, %convert_element_type3A_23, %cond3A_24 : i32
    scf.if %cond3A_25 {
      %get3A_31 = arith.constant 0 : index
      %get3A_32 = arith.constant 0 : index
      %get3A_33 = vector.load %arg5[%get3A_31, %get3A_32] : memref<1x1024xf32, #tpu.memory_space<vmem>>, vector<1x1024xf32>
      %jit3A_34 = arith.constant 0xFF800000 : f32
      %broadcast_in_dim3A_35 = vector.broadcast %jit3A_34 : f32 to vector<1024x1024xf32>
      %select_n3A_36 = arith.select %eq3A_13, %broadcast_in_dim3A_35, %get3A_3 : vector<1024x1024xi1>, vector<1024x1024xf32>
      %reduce_max3A = arith.constant dense<0xFF800000> : vector<1024xf32>
      %reduce_max3A_37 = vector.multi_reduction <maximumf>, %select_n3A_36, %reduce_max3A [0] : vector<1024x1024xf32> to vector<1024xf32>
      %broadcast_in_dim3A_38 = vector.shape_cast %reduce_max3A_37 : vector<1024xf32> to vector<1x1024xf32>
      %max3A = arith.maximumf %get3A_33, %broadcast_in_dim3A_38 : vector<1x1024xf32>
      %swap3A_39 = arith.constant 0 : index
      %swap3A_40 = arith.constant 0 : index
      %swap3A_41 = vector.load %arg5[%swap3A_39, %swap3A_40] : memref<1x1024xf32, #tpu.memory_space<vmem>>, vector<1x1024xf32>
      tpu.vector_store %arg5[%swap3A_39, %swap3A_40], %max3A {strides = array<i32>} : memref<1x1024xf32, #tpu.memory_space<vmem>>, vector<1x1024xf32>,
      %get3A_42 = arith.constant 0 : index
      %get3A_43 = arith.constant 0 : index
      %get3A_44 = vector.load %arg3[%get3A_42, %get3A_43] : memref<1x1024xf32, #tpu.memory_space<vmem>>, vector<1x1024xf32>
      %exp3A = math.exp %get3A_3 : vector<1024x1024xf32>
      %reduce_sum3A_45 = arith.constant dense<0.000000e+00> : vector<1024xf32>
      %reduce_sum3A_46 = vector.multi_reduction <add>, %exp3A, %reduce_sum3A_45 [0] : vector<1024x1024xf32> to vector<1024xf32>
      %broadcast_in_dim3A_47 = vector.shape_cast %reduce_sum3A_46 : vector<1024xf32> to vector<1x1024xf32>
      %add3A_48 = arith.addf %get3A_44, %broadcast_in_dim3A_47 : vector<1x1024xf32>
      %swap3A_49 = arith.constant 0 : index
      %swap3A_50 = arith.constant 0 : index
      %swap3A_51 = vector.load %arg3[%swap3A_49, %swap3A_50] : memref<1x1024xf32, #tpu.memory_space<vmem>>, vector<1x1024xf32>
      tpu.vector_store %arg3[%swap3A_49, %swap3A_50], %add3A_48 {strides = array<i32>} : memref<1x1024xf32, #tpu.memory_space<vmem>>, vector<1x1024xf32>,
    } else {
    }
    %eq3A_26 = arith.constant 59 : i32
    %eq3A_27 = arith.cmpi eq, %arg0, %eq3A_26 : i32
    %convert_element_type3A_28 = arith.extui %eq3A_27 : i1 to i32
    %cond3A_29 = arith.constant 0 : i32
    %cond3A_30 = arith.cmpi ne, %convert_element_type3A_28, %cond3A_29 : i32
    scf.if %cond3A_30 {
      %lt3A_31 = arith.constant 100000 : i32
      %lt3A_32 = vector.broadcast %lt3A_31 : i32 to vector<1024x1xi32>
      %lt3A_33 = arith.cmpi slt, %add3A_10, %lt3A_32 : vector<1024x1xi32>
      %jit3A_34 = arith.constant 0xFF800000 : f32
      %broadcast_in_dim3A_35 = vector.shape_cast %lt3A_33 : vector<1024x1xi1> to vector<1024x1xi1>
      %broadcast_in_dim3A_36 = vector.broadcast %broadcast_in_dim3A_35 : vector<1024x1xi1> to vector<1024x1024xi1>
      %broadcast_in_dim3A_37 = vector.broadcast %jit3A_34 : f32 to vector<1024x1024xf32>
      %select_n3A_38 = arith.select %broadcast_in_dim3A_36, %get3A_3, %broadcast_in_dim3A_37 : vector<1024x1024xi1>, vector<1024x1024xf32>
      %get3A_39 = arith.constant 0 : index
      %get3A_40 = arith.constant 0 : index
      %get3A_41 = vector.load %arg5[%get3A_39, %get3A_40] : memref<1x1024xf32, #tpu.memory_space<vmem>>, vector<1x1024xf32>
      %jit3A_42 = arith.constant 0xFF800000 : f32
      %broadcast_in_dim3A_43 = vector.broadcast %jit3A_42 : f32 to vector<1024x1024xf32>
      %select_n3A_44 = arith.select %eq3A_13, %broadcast_in_dim3A_43, %select_n3A_38 : vector<1024x1024xi1>, vector<1024x1024xf32>
      %reduce_max3A = arith.constant dense<0xFF800000> : vector<1024xf32>
      %reduce_max3A_45 = vector.multi_reduction <maximumf>, %select_n3A_44, %reduce_max3A [0] : vector<1024x1024xf32> to vector<1024xf32>
      %broadcast_in_dim3A_46 = vector.shape_cast %reduce_max3A_45 : vector<1024xf32> to vector<1x1024xf32>
      %max3A = arith.maximumf %get3A_41, %broadcast_in_dim3A_46 : vector<1x1024xf32>
      %swap3A_47 = arith.constant 0 : index
      %swap3A_48 = arith.constant 0 : index
      %swap3A_49 = vector.load %arg5[%swap3A_47, %swap3A_48] : memref<1x1024xf32, #tpu.memory_space<vmem>>, vector<1x1024xf32>
      tpu.vector_store %arg5[%swap3A_47, %swap3A_48], %max3A {strides = array<i32>} : memref<1x1024xf32, #tpu.memory_space<vmem>>, vector<1x1024xf32>,
      %get3A_50 = arith.constant 0 : index
      %get3A_51 = arith.constant 0 : index
      %get3A_52 = vector.load %arg3[%get3A_50, %get3A_51] : memref<1x1024xf32, #tpu.memory_space<vmem>>, vector<1x1024xf32>
      %exp3A = math.exp %select_n3A_38 : vector<1024x1024xf32>
      %reduce_sum3A_53 = arith.constant dense<0.000000e+00> : vector<1024xf32>
      %reduce_sum3A_54 = vector.multi_reduction <add>, %exp3A, %reduce_sum3A_53 [0] : vector<1024x1024xf32> to vector<1024xf32>
      %broadcast_in_dim3A_55 = vector.shape_cast %reduce_sum3A_54 : vector<1024xf32> to vector<1x1024xf32>
      %add3A_56 = arith.addf %get3A_52, %broadcast_in_dim3A_55 : vector<1x1024xf32>
      %swap3A_57 = arith.constant 0 : index
      %swap3A_58 = arith.constant 0 : index
      %swap3A_59 = vector.load %arg3[%swap3A_57, %swap3A_58] : memref<1x1024xf32, #tpu.memory_space<vmem>>, vector<1x1024xf32>
      tpu.vector_store %arg3[%swap3A_57, %swap3A_58], %add3A_56 {strides = array<i32>} : memref<1x1024xf32, #tpu.memory_space<vmem>>, vector<1x1024xf32>,
    } else {
    }
    return
  }
  func.func @transform_0(%arg0: i32) -> (i32, i32) {
    %add3A = arith.constant 38 : i32
    %add3A_0 = arith.addi %add3A, %arg0 : i32
    %c0_i32 = arith.constant 0 : i32
    %c0_i32_1 = arith.constant 0 : i32
    return %add3A_0, %c0_i32 : i32, i32
  }
  func.func @transform_1(%arg0: i32) -> (i32, i32) {
    %c0_i32 = arith.constant 0 : i32
    %c0_i32_0 = arith.constant 0 : i32
    %c0_i32_1 = arith.constant 0 : i32
    return %c0_i32, %c0_i32_0 : i32, i32
  }
  func.func @transform_2(%arg0: i32) -> (i32, i32) {
    %c0_i32 = arith.constant 0 : i32
    %c0_i32_0 = arith.constant 0 : i32
    %c0_i32_1 = arith.constant 0 : i32
    return %c0_i32, %c0_i32_0 : i32, i32
  }
  func.func @transform_3(%arg0: i32) -> (i32, i32) {
    %c0_i32 = arith.constant 0 : i32
    %c0_i32_0 = arith.constant 0 : i32
    %c0_i32_1 = arith.constant 0 : i32
    return %c0_i32, %c0_i32_0 : i32, i32
  }
  func.func @transform_4(%arg0: i32) -> (i32, i32) {
    %c0_i32 = arith.constant 0 : i32
    %c0_i32_0 = arith.constant 0 : i32
    %c0_i32_1 = arith.constant 0 : i32
    return %c0_i32, %c0_i32_0 : i32, i32
  }
}

</mosaic_0001>

<sc_bundles>
// kernel: _run.6.cloned.1.call-start
scs
__scs_entry_jumppad:
0x0: {  	(pc) =	sbr.rel $0x88, $3  }
0x1: {  	(tag) =	ssettag $0x0;
	lr =	simm.s32 $0x1  }
0x2: {  	[smem:$0x3F9F] =	sst lr;
	_ =	strace $0xD0000000  }
0x3: {  	_ = 	snop  }
0x4: {  	_ = 	snop  }
0x5: {  	_ = 	snop  }
0x6: {  	_ = 	snop  }
0x7: {  	_ = 	snop  }
__scs_overlays_trampoline_lowered:
0x8: {  	[smem:$0x3FAE] =	sst s0  }
0x9: {  	[smem:$0x3FAF] =	sst s1  }
0xa: {  	[smem:$0x3FB0] =	sst s2  }
0xb: {  	[smem:$0x3FB1] =	sst s3  }
0xc: {  	[smem:$0x3FB2] =	sst s4  }
0xd: {  	[smem:$0x3FB3] =	sst s5  }
0xe: {  	[smem:$0x3FB4] =	sst s6  }
0xf: {  	[smem:$0x3FB5] =	sst s7  }
0x10: {  	[smem:$0x3FB6] =	sst s8  }
0x11: {  	[smem:$0x3FB7] =	sst s9;
	s0 =	simm.s32 @!p0 $0x0  }
0x12: {  	s1 =	sld [smem:$0x3F9D];
	s0 =	simm.s32 @p0 $0x1  }
0x13: {  	[smem:$0x3FB8] =	sst s0;
	s0 =	simm.s32 @!p1 $0x0  }
0x14: {  	s2 =	sld [smem:$0x3F9C];
	s0 =	simm.s32 @p1 $0x1  }
0x15: {  	[smem:$0x3FB9] =	sst s0;
	s0 =	simm.s32 @!p2 $0x0  }
0x16: {  	s3 =	sld [smem:$0x3FDB];
	s0 =	simm.s32 @p2 $0x1  }
0x17: {  	s4 =	simm.s32 $0x1BF5;
	[smem:$0x3FBB] =	sst s0  }
0x18: {  	s0 =	sld [smem:$0x3F9E];
	_ =	swait.ge [sflag:s4], $0x0  }
0x19: {  	s7 =	sld [smem:$0x3F9F]  }
0x1a: {  	s8 =	sadd.s32 $0xFFFFE003, lr  }
0x1b: {  	s9 =	sadd.s32 $0xFFFFFEF7, lr;
	s5 =	simm.s32 $0xFFFFFFFF;
	p2 =	slt.u32 s8, $0xFFFFF086  }
0x1c: {  	p1 =	slt.u32 s9, $0xF7A;
	s5 =	simm.s32 @!p2 $0x0  }
0x1d: {  	s5 =	simm.s32 @p1 $0x1;
	p0 =	seq.s32 s7, s2  }
0x1e: {  	s7 =	smul.u32 @!p0 $0xF7A, s2;
	p2 =	seq.s32 @!p0 s5, $0x0  }
0x1f: {  	s9 =	smul.u32 $0xF7A, s1;
	s8 =	simm.s32 @!p0 $0x1BF5;
	p2 =	por !p2, p0  }
0x20: {  	[sflag:s8] =	ssyncset.s32 @!p0 $0xFFFFF086;
	s6 =	sadd.s32 @!p0 s3, s7;
	s7 =	simm.s32 @!p0 $0x108  }
0x21: {  	s3 =	sadd.s32 s3, s9;
	s6 =	sadd.s32 @!p0 $0x88, s6;
	s7 =	simm.s32 @p2 $0x1082  }
0x22: {  	[simem:s7], [sflag:s8] =	dma.local @!p0 [hbm:s6], $0xF7A  }
0x23: {  	s9 =	sor.u32 $0xD0000000, s2;
	s6 =	simm.s32 $0x108;
	_ =	swait.ge @!p0 [sflag:s8], $0x0  }
0x24: {  	s3 =	sadd.s32 $0x88, s3;
	s6 =	simm.s32 @!p1 $0x1082;
	[sflag:s4] =	ssyncset.s32 $0xFFFFF086  }
0x25: {  	[simem:s6], [sflag:s4] =	dma.local [hbm:s3], $0xF7A  }
0x26: {  	[smem:$0x3F9F] =	sst s1;
	(tag) =	ssettag s2;
	_ =	strace s9  }
0x27: {  	s1 =	sld [smem:$0x3FAF]  }
0x28: {  	s2 =	sld [smem:$0x3FB0]  }
0x29: {  	s4 =	sld [smem:$0x3FB2]  }
0x2a: {  	p0 =	seq.s32 s5, $0x0;
	s5 =	sld [smem:$0x3FB3]  }
0x2b: {  	s6 =	sld [smem:$0x3FB4]  }
0x2c: {  	s7 =	sld [smem:$0x3FB5]  }
0x2d: {  	s3 =	simm.s32 $0x108;
	s8 =	sld [smem:$0x3FB6]  }
0x2e: {  	s3 =	simm.s32 @!p0 $0x1082;
	s9 =	sld [smem:$0x3FB7]  }
0x2f: {  	lr =	sadd.s32 s0, s3;
	s0 =	sld [smem:$0x3FAE]  }
0x30: {  	s3 =	sld [smem:$0x3FB1]  }
0x31: {  	[smem:$0x3FBA] =	sst s10  }
0x32: {  	s10 =	sld [smem:$0x3FB8];
	_ =	sdelay $0x3  }
0x33: {  	p0 =	seq.s32 s10, $0x1;
	s10 =	sld [smem:$0x3FBA];
	_ =	sdelay $0x3  }
0x34: {  	[smem:$0x3FBA] =	sst s10  }
0x35: {  	s10 =	sld [smem:$0x3FB9];
	_ =	sdelay $0x3  }
0x36: {  	p1 =	seq.s32 s10, $0x1;
	s10 =	sld [smem:$0x3FBA];
	_ =	sdelay $0x3  }
0x37: {  	[smem:$0x3FBA] =	sst s10  }
0x38: {  	s10 =	sld [smem:$0x3FBB]  }
0x39: {  	_ = 	snop;
	(pc) =	sbr.ind lr, $3  }
0x3a: {  	_ = 	snop  }
0x3b: {  	_ = 	snop  }
0x3c: {  	p2 =	seq.s32 s10, $0x1;
	s10 =	sld [smem:$0x3FBA]  }
0x3d: {  	_ =	shalt  }
0x3e: {  	_ =	shalt  }
0x3f: {  	_ =	shalt  }
0x40: {  	_ =	shalt  }
0x41: {  	_ =	shalt  }
0x42: {  	_ =	shalt  }
0x43: {  	_ =	shalt  }
0x44: {  	_ =	shalt  }
0x45: {  	_ =	shalt  }
0x46: {  	_ =	shalt  }
0x47: {  	_ =	shalt  }
0x48: {  	_ =	shalt  }
0x49: {  	_ =	shalt  }
0x4a: {  	_ =	shalt  }
0x4b: {  	_ =	shalt  }
0x4c: {  	_ =	shalt  }
0x4d: {  	_ =	shalt  }
0x4e: {  	_ =	shalt  }
0x4f: {  	_ =	shalt  }
0x50: {  	_ =	shalt  }
0x51: {  	_ =	shalt  }
0x52: {  	_ =	shalt  }
0x53: {  	_ =	shalt  }
0x54: {  	_ =	shalt  }
0x55: {  	_ =	shalt  }
0x56: {  	_ =	shalt  }
0x57: {  	_ =	shalt  }
0x58: {  	_ =	shalt  }
0x59: {  	_ =	shalt  }
0x5a: {  	_ =	shalt  }
0x5b: {  	_ =	shalt  }
0x5c: {  	_ =	shalt  }
0x5d: {  	_ =	shalt  }
0x5e: {  	_ =	shalt  }
0x5f: {  	_ =	shalt  }
0x60: {  	_ =	shalt  }
0x61: {  	_ =	shalt  }
0x62: {  	_ =	shalt  }
0x63: {  	_ =	shalt  }
0x64: {  	_ =	shalt  }
0x65: {  	_ =	shalt  }
0x66: {  	_ =	shalt  }
0x67: {  	_ =	shalt  }
0x68: {  	_ =	shalt  }
0x69: {  	_ =	shalt  }
0x6a: {  	_ =	shalt  }
0x6b: {  	_ =	shalt  }
0x6c: {  	_ =	shalt  }
0x6d: {  	_ =	shalt  }
0x6e: {  	_ =	shalt  }
0x6f: {  	_ =	shalt  }
0x70: {  	_ =	shalt  }
0x71: {  	_ =	shalt  }
0x72: {  	_ =	shalt  }
0x73: {  	_ =	shalt  }
0x74: {  	_ =	shalt  }
0x75: {  	_ =	shalt  }
0x76: {  	_ =	shalt  }
0x77: {  	_ =	shalt  }
0x78: {  	_ =	shalt  }
0x79: {  	_ =	shalt  }
0x7a: {  	_ =	shalt  }
0x7b: {  	_ =	shalt  }
0x7c: {  	_ =	shalt  }
0x7d: {  	_ =	shalt  }
0x7e: {  	_ =	shalt  }
0x7f: {  	_ =	shalt  }
0x80: {  	_ =	shalt  }
0x81: {  	_ =	shalt  }
0x82: {  	_ =	shalt  }
0x83: {  	_ =	shalt  }
0x84: {  	_ =	shalt  }
0x85: {  	_ =	shalt  }
0x86: {  	_ =	shalt  }
0x87: {  	_ =	shalt  }
.Lfunc_end0:
.L_simem_size_0:
called_computation_lowered:
.L_overlay_start_0:
0x88: {  	s2 =	sld [smem:$0x3FD9]  }
0x89: {  	s3 =	sld [smem:$0x3FFE];
	_ =	sdelay $0x1  }
0x8a: {  	s1 =	srdreg.scid  }
0x8b: {  	s0 =	sand.u32 $0x1, s1  }
0x8c: {  	s17 =	sshll.u32 s0, $0xA;
	s2 =	sadd.s32 s3, s2  }
0x8d: {  	s2 =	sadd.s32 s2, s17  }
0x8e: {  	[smem:$0x3FC6] =	sst s2  }
0x8f: {  	_ = 	snop  }
0x90: {  	s2 =	sld [smem:$0x3FC9]  }
0x91: {  	s18 =	sld [smem:$0x3FC8];
	(tm) =	ssettm $0x1  }
0x92: {  	s4 =	sld [smem:$0x3FFB];
	_ =	sdelay $0x3  }
0x93: {  	_ =	strace s4  }
0x94: {  	s4 =	sld [smem:$0x3FFC];
	_ =	sdelay $0x3  }
0x95: {  	_ =	strace s4  }
0x96: {  	s4 =	sld [smem:$0x3FFD];
	_ =	sdelay $0x3  }
0x97: {  	_ =	strace s4  }
0x98: {  	_ =	strace $0x8FFFFFFF  }
0x99: {  	s19 =	sld [smem:$0x3FDB];
	_ =	sdelay $0x1  }
0x9a: {  	s5 =	simm.s32 $_scs_section_size  }
0x9b: {  	s6 =	simm.s32 $_size__tile_overlayer_lowered;
	s7 =	simm.s32 $_tile_overlayer_lowered  }
0x9c: {  	s22 =	simm.s32 $0x1BFF;
	s21 =	sshll.u32 s7, $0x1;
	s4 =	sadd.s32 s5, s19  }
0x9d: {  	s8 =	simm.s32 $0x0;
	s20 =	sshll.u32 s6, $0x1;
	s6 =	sadd.s32 s21, s4  }
0x9e: {  	[timem:s8], [sflag:s22] =	dma.local [hbm:s6], s20  }
0x9f: {  	_ =	swait.ge [sflag:s22], s20  }
0xa0: {  	s5 =	ssub.s32 $0x0, s20;
	[sflag:s22] =	ssyncset.done $0x0  }
0xa1: {  	[sflag:s22] =	ssyncadd.s32 s5;
	_ =	sdelay $0x1  }
0xa2: {  	s23 =	simm.s32 $0x1B8B  }
0xa3: {  	_ =	swait.ge [sflag:s23], $0x1  }
0xa4: {  	[sflag:s23] =	ssyncset.done $0x0  }
0xa5: {  	s25 =	simm.s32 $0x1B8E;
	s24 =	sld [smem:$0x3FFE];
	[sflag:s23] =	ssyncadd.s32 $0xFFFFFFFF  }
0xa6: {  	s26 =	simm.s32 $execute0_lowered;
	[smem:$0x3FD2] =	sst s25  }
0xa7: {  	s6 =	sshll.u32 s26, $0x1;
	_ =	strace $0x80000046;
	[dreg:$0x1] =	wrdreg $0xFFFFFFFF  }
0xa8: {  	s28 =	simm.s32 $_size_execute0_lowered;
	s4 =	sadd.s32 s4, s6;
	[dreg:$0x0] =	wrdreg $0x0  }
0xa9: {  	s6 =	sshll.u32 s28, $0x1;
	[dreg:$0x2] =	wrdreg s4  }
0xaa: {  	[dreg:$0x3] =	wrdreg s6  }
0xab: {  	[dreg:$0x4] =	wrdreg $0xC0  }
0xac: {  	_ =	task [dreg:s8], $0x5FFFF  }
0xad: {  	[dreg:$0x1] =	wrdreg $0xFFFFFFFF  }
0xae: {  	[dreg:$0x0] =	wrdreg $0x60  }
0xaf: {  	[dreg:$0x2] =	wrdreg s2  }
0xb0: {  	[dreg:$0x3] =	wrdreg s18  }
0xb1: {  	[dreg:$0x4] =	wrdreg s24  }
0xb2: {  	[dreg:$0x5] =	wrdreg $0x9  }
0xb3: {  	_ =	task.clear_ibuf [dreg:s8], $0x6FFFF;
	_ =	strace $0x90000046  }
0xb4: {  	s29 =	simm.s32 $0x9;
	_ =	strace $0x80000048  }
0xb5: {  	_ =	swait.ge [sflag:s29], $0x1  }
0xb6: {  	[sflag:s29] =	ssyncadd.s32 $0xFFFFFFFF  }
0xb7: {  	_ =	strace $0x90000048  }
0xb8: {  	_ =	sfence  }
0xb9: {  	s30 =	sld [smem:$0x0];
	_ =	sdelay $0x2  }
0xba: {  	s31 =	sshll.u32 s1, $0xD;
	s1 =	sshrl.u32 s1, $0x2  }
0xbb: {  	s3 =	sand.u32 $0x4000, s31;
	s1 =	sadd.s32 s1, s30  }
0xbc: {  	s0 =	sor.u32 s3, s0;
	s1 =	sshll.u32 s1, $0x11  }
0xbd: {  	s0 =	sor.u32 s1, s0  }
0xbe: {  	s0 =	sadd.s32 $0x8F2B, s0  }
0xbf: {  	[sflag:s0] =	ssyncadd.remote.s32 $0x1  }
0xc0: {  	_ =	sfence.sel $0xFFFF  }
0xc1: {  	[dreg:$0x0] =	wrdreg $0xFFFFFFFF;
	(pc) =	sbr.abs _section_cstart, $3  }
0xc2: {  	[dreg:$0x1] =	wrdreg $0xFFFFFFFF  }
0xc3: {  	_ =	task.clear_ibuf [dreg:s8], $0x2FFFF;
	_ =	strace $0x9FFFFFFF  }
0xc4: {  	(tm) =	ssettm $0x7FFFFFFF  }
0xc5: {  	_ =	shalt  }
tec
execute0_lowered:
.L_overlay_start_1:
0x0: {  	(tag) =	ssettag $0x1  }
0x1: {  	s1 =	rddreg [dreg:$0x0];
	s0 =	srdreg.scid  }
0x2: {  	s3 =	stileid.u32;
	s2 =	rddreg [dreg:$0x2];
	s4 =	simm.s32 $0x0  }
0x3: {  	s12 =	simm.s32 $0x10000;
	s13 =	simm.s32 $0x3;
	s14 =	simm.s32 $0x8000  }
0x4: {  	s15 =	simm.s32 $0x1;
	s16 =	simm.s32 $0x2;
	s17 =	simm.s32 $0x80  }
0x5: {  	s18 =	simm.s32 $0x400;
	s19 =	simm.s32 $0x10400;
	s20 =	simm.s32 $0x10800  }
0x6: {  	s21 =	simm.s32 $0x10C00;
	s0 =	sand.u32 $0x1, s0;
	s5 =	sshll.u32 s3, $0x1  }
0x7: {  	s22 =	simm.s32 $0x0;
	[smem:$0x7FF] =	sst s4;
	s5 =	sor.u32 s0, s5  }
0x8: {  	s6 =	sshll.u32 s3, $0x8;
	s0 =	ssub.s32 $0x2, s0;
	s31 =	smul.u32 $0x26000, s5  }
0x9: {  	_ =	strace $0x80000047;
	s7 =	sshll.u32 s5, $0x4;
	s9 =	smul.u32 $0x130000, s5  }
0xa: {  	s8 =	sshrl.u32 s0, $0x1;
	s5 =	smul.u32 $0x4C0, s5;
	s6 =	sor.u32 s6, s7  }
0xb: {  	s0 =	ssub.s32 s0, s8;
	s6 =	sand.u32 $0xC70, s6;
	s7 =	sadd.s32 $0x10000, s9  }
0xc: {  	s11 =	smax.u32 s0, $0x1;
	s2 =	sadd.s32 s6, s2;
	s6 =	sadd.s32 s1, s31  }
0xd: {  	v0 =	vimm.f32 $0.0e+00;
	v1 =	vimm.f32 $-3.000000010e+38;
	s8 =	sadd.s32 $0xE00, s2;
	s9 =	sadd.s32 $0x1E00, s2;
	s10 =	sadd.s32 $0x2E00, s2  }
.LBB2_1:
0xe: {  	s0 =	rddreg [dreg:$0x1]  }
0xf: {  	[tilespmem:s12], [sflag:$0x3] =	stream.linear.gather [hbm4b:s0+s4], $0x400, $0x38;
	[tilespmem:$0x11000] =	vst v63  }
0x10: {  	_ =	swait.ge [sflag:s13], $0x400  }
0x11: {  	[sflag:s13] =	ssyncset.done $0x0  }
0x12: {  	s2 =	simm.s32 $0x0;
	s0 =	simm.s32 $0x40;
	[sflag:s13] =	ssyncadd.s32 $0xFFFFFC00  }
.LBB2_2:
0x13: {  	p0 =	sne.s32 s0, $0xFC0;
	[tilespmem:s2+$0x10C00] =	vst v1;
	s23 =	smov.u32 s0;
	s0 =	sadd.s32 $0x40, s0  }
.Ltmp0:
0x14: {  	[tilespmem:s2+$0x10400] =	vst v0;
	(pc) =	sbr.rel @p0 .LBB2_2-.Ltmp0, $2  }
0x15: {  	[tilespmem:s2+$0x10800] =	vst v0;
	_ =	sdelay $0x2  }
0x16: {  	s2 =	sshra.s32 s23, $0x2  }
0x17: {  	[tilespmem:s2+$0x10C00] =	vst v1  }
0x18: {  	[tilespmem:s2+$0x10400] =	vst v0  }
0x19: {  	[tilespmem:s2+$0x10800] =	vst v0;
	s23 =	simm.s32 $0x0;
	s24 =	simm.s32 $0x0  }
0x1a: {  	[tilespmem:s23], [sflag:$0x1] =	stream.linear.gather [hbm4b:s6+s23], $0x8000, $0x38;
	[tilespmem:$0x11000] =	vst v63  }
.LBB2_4:
0x1b: {  	s0 =	sshll.u32 s24, $0x6  }
0x1c: {  	s0 =	sadd.s32 s5, s0  }
0x1d: {  	s25 =	sadd.s32 $0x20, s0  }
0x1e: {  	s3 =	sor.u32 $0x1, s0;
	s26 =	sor.u32 $0x2, s0;
	s28 =	sor.u32 $0x3, s0  }
0x1f: {  	s29 =	sor.u32 $0x4, s0;
	s30 =	sor.u32 $0x7, s0;
	s31 =	sor.u32 $0x1E, s0  }
0x20: {  	s2 =	sshll.u32 s25, $0x7;
	v2 =	vmov s3;
	v3 =	vmov s26;
	s3 =	sor.u32 $0x5, s0;
	s26 =	sor.u32 $0x6, s0  }
0x21: {  	v4 =	vmov s28;
	v5 =	vmov s29;
	s28 =	sor.u32 $0x9, s0;
	s29 =	sor.u32 $0xA, s0;
	v8 =	vmov s30;
	s30 =	sor.u32 $0xD, s0  }
0x22: {  	v32 =	vmov s31;
	s31 =	simm.s32 $0x0;
	s2 =	sadd.s32 s1, s2;
	v6 =	vmov s3;
	s3 =	sor.u32 $0x8, s0  }
0x23: {  	v7 =	vmov s26;
	s26 =	sor.u32 $0xC, s0;
	v10 =	vmov s28;
	v11 =	vmov s29;
	s28 =	sor.u32 $0xF, s0;
	s29 =	sor.u32 $0x10, s0  }
0x24: {  	[tilespmem:s14], [sflag:$0x2] =	stream.linear.gather [hbm4b:s2+s23], $0x8000, $0x38;
	[tilespmem:$0x11000] =	vst v63  }
0x25: {  	v14 =	vmov s30;
	s30 =	sor.u32 $0x13, s0;
	v9 =	vmov s3;
	s3 =	sor.u32 $0xB, s0;
	v13 =	vmov s26;
	s26 =	sor.u32 $0x12, s0  }
0x26: {  	v16 =	vmov s28;
	v17 =	vmov s29;
	s28 =	sor.u32 $0x15, s0;
	s29 =	sor.u32 $0x16, s0;
	v20 =	vmov s30;
	s30 =	sor.u32 $0x19, s0  }
0x27: {  	s2 =	simm.s32 $0x0;
	_ =	swait.ge [sflag:s15], $0x8000;
	v12 =	vmov s3;
	s3 =	sor.u32 $0xE, s0  }
0x28: {  	v19 =	vmov s26;
	s26 =	sor.u32 $0x18, s0;
	v22 =	vmov s28;
	s28 =	sor.u32 $0x1B, s0;
	v15 =	vmov s3;
	s3 =	sor.u32 $0x11, s0  }
0x29: {  	v23 =	vmov s29;
	s29 =	sor.u32 $0x1C, s0;
	v27 =	vmov s30;
	s30 =	sor.u32 $0x1D, s0;
	v18 =	vmov s3;
	s3 =	sor.u32 $0x14, s0  }
0x2a: {  	v25 =	vmov s0;
	[sflag:s15] =	ssyncset.done $0x0;
	v26 =	vmov s26;
	s26 =	simm.s32 $0x10000;
	v21 =	vmov s3;
	s3 =	sor.u32 $0x17, s0  }
0x2b: {  	v29 =	vmov s28;
	v30 =	vmov s29;
	s28 =	simm.s32 $0x10400;
	v24 =	vmov s3;
	s3 =	sor.u32 $0x1A, s0;
	s0 =	sor.u32 $0x1F, s0  }
0x2c: {  	s29 =	simm.s32 $0x10800;
	v31 =	vmov s30;
	s30 =	simm.s32 $0x10C00;
	[sflag:s15] =	ssyncadd.s32 $0xFFFF8000;
	v28 =	vmov s3;
	v33 =	vmov s0  }
.LBB2_5:
0x2d: {  	s0 =	sand.u32 $0x70, s2;
	s3 =	sand.u32 $0x1C00, s31  }
0x2e: {  	v34 =	vld [tilespmem:s26+$0x0];
	s0 =	sor.u32 s0, s3  }
0x2f: {  	v35 =	vld [tilespmem:s0+$0x0];
	_ =	sdelay $0x1  }
0x30: {  	v36 =	vld [tilespmem:s0+$0x80];
	_ =	sdelay $0x1  }
0x31: {  	v38 =	vld [tilespmem:s0+$0x100];
	vm0 =	veq.s32 v34, v25  }
0x32: {  	vm10 =	veq.s32 v34, v2;
	vm1 =	veq.s32 v34, v3;
	v37 =	vmul.f32 $1.442695020e+00, v35  }
0x33: {  	v39 =	vld [tilespmem:s0+$0x180];
	vm11 =	veq.s32 v34, v4;
	vm12 =	veq.s32 v34, v5;
	vm13 =	veq.s32 v34, v6  }
0x34: {  	v42 =	vld [tilespmem:s0+$0x200];
	vm14 =	veq.s32 v34, v7;
	v50 =	vmul.f32 $1.442695020e+00, v36;
	(erf) = vpow2.f32 v37  }
0x35: {  	v43 =	vld [tilespmem:s30+$0x0];
	vm15 =	veq.s32 v34, v8;
	vm4 =	veq.s32 v34, v9;
	vm5 =	veq.s32 v34, v10  }
0x36: {  	v45 =	vld [tilespmem:s0+$0x280];
	vm6 =	veq.s32 v34, v11;
	v51 =	vmul.f32 $1.442695020e+00, v38;
	(erf) = vpow2.f32 v50  }
0x37: {  	vm7 =	veq.s32 v34, v12;
	vm8 =	veq.s32 v34, v13;
	vm9 =	veq.s32 v34, v14  }
0x38: {  	v41 =	vld [tilespmem:s29+$0x0];
	s3 =	sor.u32 s31, s2;
	v52 =	vmul.f32 $1.442695020e+00, v39;
	v44 =	vnsel vm0, $0x0, v35;
	(erf) = vpow2.f32 v51  }
0x39: {  	v40 =	vld [tilespmem:s28+$0x0];
	s3 =	sor.u32 $0x380, s3;
	v35 =	vsel vm0, $0xFF61B1E6, v35;
	v54 =	vmul.f32 $1.442695020e+00, v42;
	v55 =	vnsel vm10, $0x0, v36  }
0x3a: {  	v47 =	vld [tilespmem:s3+$0x0];
	v36 =	vsel vm10, $0xFF61B1E6, v36;
	v57 =	vnsel vm1, $0x0, v38;
	(erf) = vpow2.f32 v52  }
0x3b: {  	v46 =	vmul.f32 $1.442695020e+00, v45;
	v38 =	vsel vm1, $0xFF61B1E6, v38;
	v35 =	vmax.f32 v43, v35;
	v43 =	vld [tilespmem:s0+$0x300]  }
0x3c: {  	v61 =	vnsel vm11, $0x0, v39;
	v63 =	vsel vm11, $0xFF61B1E6, v39;
	v49 =	vnsel vm12, $0x0, v42  }
0x3d: {  	vm10 =	veq.s32 v34, v15;
	vm11 =	veq.s32 v34, v16;
	v41 =	vadd.f32 v44, v41;
	v53 =	vpop (erf)  }
0x3e: {  	v35 =	vmax.f32 v35, v36;
	(erf) = vpow2.f32 v54;
	v37 =	vadd.f32 v53, v40  }
0x3f: {  	v39 =	vld [tilespmem:s0+$0x2080];
	v48 =	vmul.f32 $1.442695020e+00, v47;
	v35 =	vmax.f32 v35, v38;
	v40 =	vadd.f32 v55, v41;
	v56 =	vpop (erf)  }
0x40: {  	v44 =	vld [tilespmem:s0+$0x2000];
	v50 =	vsel vm12, $0xFF61B1E6, v42;
	v62 =	vmul.f32 $1.442695020e+00, v43;
	v58 =	vadd.f32 v56, v37  }
0x41: {  	v42 =	vld [tilespmem:s0+$0x2180];
	vm12 =	veq.s32 v34, v17;
	(erf) = vpow2.f32 v46;
	v60 =	vpop (erf);
	v59 =	vadd.f32 v57, v40  }
0x42: {  	v35 =	vmax.f32 v35, v63;
	(erf) = vpow2.f32 v62;
	v36 =	vadd.f32 v60, v58  }
0x43: {  	v52 =	vnsel vm13, $0x0, v45;
	v35 =	vmax.f32 v35, v50;
	v46 =	vpop (erf);
	v37 =	vadd.f32 v61, v59  }
0x44: {  	v50 =	vnsel vm5, $0x0, v39;
	(erf) = vpow2.f32 v48;
	v36 =	vadd.f32 v46, v36;
	v46 =	vld [tilespmem:s0+$0x2100]  }
0x45: {  	v54 =	vsel vm13, $0xFF61B1E6, v45;
	v53 =	vmul.f32 $1.442695020e+00, v44;
	v37 =	vadd.f32 v49, v37  }
0x46: {  	vm13 =	veq.s32 v34, v18;
	v35 =	vmax.f32 v35, v54;
	v45 =	vmul.f32 $1.442695020e+00, v42  }
0x47: {  	v62 =	vsel vm15, $0xFF61B1E6, v47;
	v51 =	vpop (erf);
	(erf) = vpow2.f32 v53;
	v37 =	vadd.f32 v52, v37  }
0x48: {  	v56 =	vnsel vm14, $0x0, v43;
	v57 =	vmul.f32 $1.442695020e+00, v39;
	v48 =	vsel vm4, $0xFF61B1E6, v44  }
0x49: {  	v58 =	vsel vm14, $0xFF61B1E6, v43;
	v43 =	vld [tilespmem:s0+$0x2200];
	v37 =	vadd.f32 v56, v37;
	v59 =	vmul.f32 $1.442695020e+00, v46  }
0x4a: {  	v61 =	vnsel vm15, $0x0, v47;
	v47 =	vnsel vm4, $0x0, v44;
	v55 =	vpop (erf);
	(erf) = vpow2.f32 v57  }
0x4b: {  	v40 =	vld [tilespmem:s0+$0x2280];
	v35 =	vmax.f32 v35, v58;
	v60 =	vpop (erf);
	v37 =	vadd.f32 v61, v37;
	(erf) = vpow2.f32 v59  }
0x4c: {  	vm14 =	veq.s32 v34, v19;
	vm15 =	veq.s32 v34, v20;
	v35 =	vmax.f32 v35, v62  }
0x4d: {  	v35 =	vmax.f32 v35, v48;
	v63 =	vpop (erf);
	v37 =	vadd.f32 v47, v37;
	(erf) = vpow2.f32 v45;
	v47 =	vld [tilespmem:s0+$0x2300]  }
0x4e: {  	v36 =	vadd.f32 v51, v36;
	v52 =	vsel vm5, $0xFF61B1E6, v39;
	v51 =	vmul.f32 $1.442695020e+00, v43  }
0x4f: {  	vm4 =	veq.s32 v34, v21;
	v39 =	vld [tilespmem:s0+$0x2380];
	vm5 =	veq.s32 v34, v22;
	v35 =	vmax.f32 v35, v52  }
0x50: {  	v36 =	vadd.f32 v55, v36;
	v55 =	vmul.f32 $1.442695020e+00, v40;
	v49 =	vpop (erf);
	(erf) = vpow2.f32 v51  }
0x51: {  	v41 =	vld [tilespmem:s0+$0x4180];
	v54 =	vnsel vm6, $0x0, v46;
	v56 =	vsel vm6, $0xFF61B1E6, v46;
	v46 =	vsel vm8, $0xFF61B1E6, v43  }
0x52: {  	vm6 =	veq.s32 v34, v23;
	v36 =	vadd.f32 v60, v36;
	v45 =	vld [tilespmem:s0+$0x4000];
	v58 =	vmul.f32 $1.442695020e+00, v47  }
0x53: {  	v35 =	vmax.f32 v35, v56;
	v60 =	vsel vm7, $0xFF61B1E6, v42;
	v53 =	vpop (erf);
	(erf) = vpow2.f32 v55  }
0x54: {  	v61 =	vmul.f32 $1.442695020e+00, v39;
	v36 =	vadd.f32 v63, v36;
	v57 =	vpop (erf);
	(erf) = vpow2.f32 v58  }
0x55: {  	v38 =	vld [tilespmem:s0+$0x4080];
	v59 =	vnsel vm7, $0x0, v42;
	v35 =	vmax.f32 v35, v60;
	v56 =	vnsel vm11, $0x0, v39  }
0x56: {  	v42 =	vld [tilespmem:s0+$0x4100];
	v39 =	vsel vm11, $0xFF61B1E6, v39;
	v36 =	vadd.f32 v49, v36;
	v62 =	vpop (erf);
	(erf) = vpow2.f32 v61  }
0x57: {  	v60 =	vmul.f32 $1.442695020e+00, v41;
	vm7 =	veq.s32 v34, v24;
	v48 =	vmul.f32 $1.442695020e+00, v45  }
0x58: {  	v35 =	vmax.f32 v35, v46;
	v37 =	vadd.f32 v50, v37;
	v36 =	vadd.f32 v53, v36  }
0x59: {  	v50 =	vnsel vm9, $0x0, v40;
	v40 =	vsel vm9, $0xFF61B1E6, v40;
	v49 =	vpop (erf);
	(erf) = vpow2.f32 v48  }
0x5a: {  	v63 =	vnsel vm8, $0x0, v43;
	v35 =	vmax.f32 v35, v40;
	v36 =	vadd.f32 v57, v36  }
0x5b: {  	v43 =	vld [tilespmem:s0+$0x4200];
	v37 =	vadd.f32 v54, v37;
	v55 =	vmul.f32 $1.442695020e+00, v42;
	v53 =	vmul.f32 $1.442695020e+00, v38  }
0x5c: {  	v52 =	vnsel vm10, $0x0, v47;
	v54 =	vsel vm10, $0xFF61B1E6, v47;
	v36 =	vadd.f32 v62, v36;
	v51 =	vpop (erf)  }
0x5d: {  	v37 =	vadd.f32 v59, v37;
	v35 =	vmax.f32 v35, v54;
	v44 =	vpop (erf);
	(erf) = vpow2.f32 v53  }
0x5e: {  	v59 =	vsel vm12, $0xFF61B1E6, v45;
	v35 =	vmax.f32 v35, v39;
	v36 =	vadd.f32 v49, v36  }
0x5f: {  	v37 =	vadd.f32 v63, v37;
	v58 =	vnsel vm12, $0x0, v45;
	v45 =	vld [tilespmem:s0+$0x4280];
	v57 =	vpop (erf);
	(erf) = vpow2.f32 v55  }
0x60: {  	v35 =	vmax.f32 v35, v59;
	v63 =	vmul.f32 $1.442695020e+00, v43;
	v36 =	vadd.f32 v51, v36  }
0x61: {  	v39 =	vld [tilespmem:s0+$0x4300];
	v37 =	vadd.f32 v50, v37;
	v62 =	vnsel vm13, $0x0, v38;
	v38 =	vsel vm13, $0xFF61B1E6, v38  }
0x62: {  	v35 =	vmax.f32 v35, v38;
	v38 =	vld [tilespmem:s0+$0x4380];
	v36 =	vadd.f32 v44, v36;
	v61 =	vpop (erf);
	(erf) = vpow2.f32 v60  }
0x63: {  	vm11 =	veq.s32 v34, v29;
	vm8 =	veq.s32 v34, v26;
	v37 =	vadd.f32 v52, v37  }
0x64: {  	v50 =	vmul.f32 $1.442695020e+00, v45;
	v36 =	vadd.f32 v57, v36;
	(erf) = vpow2.f32 v63  }
0x65: {  	v49 =	vnsel vm14, $0x0, v42;
	v37 =	vadd.f32 v56, v37;
	v51 =	vsel vm14, $0xFF61B1E6, v42;
	v42 =	vld [tilespmem:s0+$0x6000]  }
0x66: {  	v46 =	vld [tilespmem:s0+$0x6080];
	v53 =	vmul.f32 $1.442695020e+00, v39;
	v36 =	vadd.f32 v61, v36;
	v48 =	vpop (erf);
	(erf) = vpow2.f32 v50  }
0x67: {  	v54 =	vnsel vm15, $0x0, v41;
	v37 =	vadd.f32 v58, v37;
	v55 =	vmul.f32 $1.442695020e+00, v38  }
0x68: {  	v41 =	vsel vm15, $0xFF61B1E6, v41;
	v36 =	vadd.f32 v48, v36;
	v52 =	vpop (erf);
	(erf) = vpow2.f32 v53  }
0x69: {  	v47 =	vld [tilespmem:s0+$0x6100];
	v59 =	vsel vm4, $0xFF61B1E6, v43;
	v37 =	vadd.f32 v62, v37;
	(erf) = vpow2.f32 v55  }
0x6a: {  	v35 =	vmax.f32 v35, v51;
	v58 =	vmul.f32 $1.442695020e+00, v42;
	v36 =	vadd.f32 v52, v36  }
0x6b: {  	v60 =	vmul.f32 $1.442695020e+00, v46;
	v37 =	vadd.f32 v49, v37;
	v57 =	vnsel vm4, $0x0, v43;
	v43 =	vld [tilespmem:s0+$0x6180];
	v56 =	vpop (erf)  }
0x6c: {  	v35 =	vmax.f32 v35, v41;
	(erf) = vpow2.f32 v58;
	v36 =	vadd.f32 v56, v36  }
0x6d: {  	v40 =	vld [tilespmem:s0+$0x6200];
	v35 =	vmax.f32 v35, v59;
	v37 =	vadd.f32 v54, v37;
	v61 =	vpop (erf);
	(erf) = vpow2.f32 v60  }
0x6e: {  	v44 =	vld [tilespmem:s0+$0x6280];
	v63 =	vsel vm5, $0xFF61B1E6, v45;
	v49 =	vmul.f32 $1.442695020e+00, v47;
	v36 =	vadd.f32 v61, v36  }
0x6f: {  	v62 =	vnsel vm5, $0x0, v45;
	v35 =	vmax.f32 v35, v63;
	v37 =	vadd.f32 v57, v37;
	v48 =	vpop (erf)  }
0x70: {  	v41 =	vld [tilespmem:s0+$0x6300];
	v52 =	vmul.f32 $1.442695020e+00, v43;
	(erf) = vpow2.f32 v49;
	v36 =	vadd.f32 v48, v36  }
0x71: {  	v37 =	vadd.f32 v62, v37;
	v50 =	vnsel vm6, $0x0, v39;
	v39 =	vsel vm6, $0xFF61B1E6, v39;
	v51 =	vpop (erf)  }
0x72: {  	v53 =	vmul.f32 $1.442695020e+00, v40;
	v49 =	vpop (erf);
	(erf) = vpow2.f32 v52;
	v36 =	vadd.f32 v51, v36  }
0x73: {  	v35 =	vmax.f32 v35, v39;
	v39 =	vld [tilespmem:s0+$0x6380];
	v37 =	vadd.f32 v50, v37;
	v55 =	vmul.f32 $1.442695020e+00, v44  }
0x74: {  	v48 =	vnsel vm7, $0x0, v38;
	(erf) = vpow2.f32 v53;
	v36 =	vadd.f32 v49, v36  }
0x75: {  	vm9 =	veq.s32 v34, v27;
	v58 =	vmul.f32 $1.442695020e+00, v41;
	v37 =	vadd.f32 v48, v37;
	v54 =	vpop (erf)  }
0x76: {  	v56 =	vnsel vm8, $0x0, v42;
	v57 =	vpop (erf);
	(erf) = vpow2.f32 v55;
	v36 =	vadd.f32 v54, v36  }
0x77: {  	vm10 =	veq.s32 v34, v28;
	v59 =	vnsel vm9, $0x0, v46;
	v37 =	vadd.f32 v56, v37  }
0x78: {  	v60 =	vmul.f32 $1.442695020e+00, v39;
	(erf) = vpow2.f32 v58;
	v36 =	vadd.f32 v57, v36  }
0x79: {  	vm15 =	veq.s32 v34, v33;
	vm12 =	veq.s32 v34, v30;
	v37 =	vadd.f32 v59, v37;
	v61 =	vpop (erf)  }
0x7a: {  	v62 =	vnsel vm10, $0x0, v47;
	(erf) = vpow2.f32 v60;
	v36 =	vadd.f32 v61, v36  }
0x7b: {  	vm13 =	veq.s32 v34, v31;
	vm14 =	veq.s32 v34, v32;
	v37 =	vadd.f32 v62, v37;
	v63 =	vpop (erf)  }
0x7c: {  	v38 =	vsel vm7, $0xFF61B1E6, v38;
	v49 =	vnsel vm11, $0x0, v43;
	v36 =	vadd.f32 v63, v36  }
0x7d: {  	v42 =	vsel vm8, $0xFF61B1E6, v42;
	v35 =	vmax.f32 v35, v38;
	v37 =	vadd.f32 v49, v37;
	v50 =	vpop (erf)  }
0x7e: {  	v48 =	vsel vm9, $0xFF61B1E6, v46;
	v52 =	vnsel vm12, $0x0, v40;
	v36 =	vadd.f32 v50, v36  }
0x7f: {  	v35 =	vmax.f32 v35, v42;
	v51 =	vsel vm10, $0xFF61B1E6, v47;
	v37 =	vadd.f32 v52, v37;
	v53 =	vpop (erf)  }
0x80: {  	v35 =	vmax.f32 v35, v48;
	v55 =	vnsel vm13, $0x0, v44;
	v36 =	vadd.f32 v53, v36  }
0x81: {  	v40 =	vsel vm12, $0xFF61B1E6, v40;
	v35 =	vmax.f32 v35, v51;
	v56 =	vpop (erf);
	v37 =	vadd.f32 v55, v37  }
0x82: {  	v54 =	vsel vm11, $0xFF61B1E6, v43;
	v57 =	vnsel vm14, $0x0, v41;
	v36 =	vadd.f32 v56, v36  }
0x83: {  	p0 =	sne.s32 s2, $0x3F0;
	v58 =	vsel vm13, $0xFF61B1E6, v44;
	v35 =	vmax.f32 v35, v54;
	v37 =	vadd.f32 v57, v37;
	v59 =	vpop (erf)  }
.Ltmp1:
0x84: {  	v35 =	vmax.f32 v35, v40;
	v60 =	vnsel vm15, $0x0, v39;
	v34 =	vadd.f32 v59, v36;
	(pc) =	sbr.rel @p0 .LBB2_5-.Ltmp1, $4  }
0x85: {  	v35 =	vmax.f32 v35, v58;
	v61 =	vsel vm14, $0xFF61B1E6, v41;
	v36 =	vadd.f32 v60, v37  }
0x86: {  	v62 =	vsel vm15, $0xFF61B1E6, v39;
	v35 =	vmax.f32 v35, v61;
	[tilespmem:s28+$0x0] =	vst v34  }
0x87: {  	s26 =	sadd.s32 $0x10, s26;
	s31 =	sadd.s32 $0x80, s31;
	s2 =	sadd.s32 $0x10, s2;
	v63 =	vmax.f32 v35, v62;
	[tilespmem:s29+$0x0] =	vst v36  }
0x88: {  	s28 =	sadd.s32 $0x10, s28;
	s29 =	sadd.s32 $0x10, s29;
	[tilespmem:s30+$0x0] =	vst v63;
	s30 =	sadd.s32 $0x10, s30  }
0x89: {  	p0 =	seq.s32 s24, $0x12  }
0x8a: {  	s31 =	sor.u32 $0x2, s25;
	s3 =	sor.u32 $0x3, s25;
	s26 =	sor.u32 $0x4, s25  }
0x8b: {  	s28 =	sor.u32 $0x7, s25;
	s29 =	sor.u32 $0x1E, s25;
	s30 =	sor.u32 $0x1F, s25  }
0x8c: {  	s0 =	sshll.u32 @!p0 s24, $0x10;
	s2 =	simm.s32 @!p0 $0x0;
	v3 =	vmov s31;
	s31 =	sor.u32 $0x5, s25  }
0x8d: {  	v4 =	vmov s3;
	v5 =	vmov s26;
	s3 =	sor.u32 $0x9, s25;
	s26 =	sor.u32 $0xA, s25;
	v8 =	vmov s28;
	s28 =	sor.u32 $0xD, s25  }
0x8e: {  	v32 =	vmov s29;
	v33 =	vmov s30;
	s29 =	simm.s32 $0x10800;
	s30 =	simm.s32 $0x10C00;
	s0 =	sadd.s32 @!p0 s0, s7  }
0x8f: {  	v6 =	vmov s31;
	s31 =	sor.u32 $0x8, s25;
	v10 =	vmov s3;
	v11 =	vmov s26;
	s3 =	sor.u32 $0xF, s25;
	s26 =	sor.u32 $0x10, s25  }
0x90: {  	v14 =	vmov s28;
	s28 =	sor.u32 $0x13, s25;
	s0 =	sshrl.u32 @!p0 s0, $0x3;
	v9 =	vmov s31;
	s31 =	sor.u32 $0xB, s25  }
0x91: {  	v16 =	vmov s3;
	v17 =	vmov s26;
	s3 =	sor.u32 $0x15, s25;
	s26 =	sor.u32 $0x16, s25;
	v20 =	vmov s28;
	s28 =	sor.u32 $0x19, s25  }
0x92: {  	s0 =	sadd.s32 @!p0 s1, s0;
	v12 =	vmov s31;
	s31 =	sor.u32 $0xE, s25;
	v22 =	vmov s3;
	s3 =	sor.u32 $0x1B, s25  }
0x93: {  	[tilespmem:s2], [sflag:$0x1] =	stream.linear.gather @!p0 [hbm4b:s0+s2], $0x8000, $0x38;
	[tilespmem:$0x11000] =	vst v63  }
0x94: {  	v23 =	vmov s26;
	s26 =	sor.u32 $0x1C, s25;
	v27 =	vmov s28;
	s28 =	simm.s32 $0x10400;
	s2 =	sor.u32 $0x1, s25  }
0x95: {  	v15 =	vmov s31;
	s31 =	sor.u32 $0x11, s25;
	s0 =	sor.u32 $0x1A, s25;
	v2 =	vmov s2;
	s2 =	sor.u32 $0x6, s25  }
0x96: {  	v30 =	vmov s26;
	s26 =	simm.s32 $0x10000;
	v18 =	vmov s31;
	s31 =	sor.u32 $0x14, s25;
	v7 =	vmov s2;
	s2 =	sor.u32 $0xC, s25  }
0x97: {  	v25 =	vmov s25;
	_ =	swait.ge [sflag:s16], $0x8000;
	v21 =	vmov s31;
	s31 =	sor.u32 $0x18, s25;
	v13 =	vmov s2;
	s2 =	sor.u32 $0x12, s25  }
0x98: {  	v29 =	vmov s3;
	[sflag:s16] =	ssyncset.done $0x0;
	v26 =	vmov s31;
	s31 =	sor.u32 $0x1D, s25;
	v19 =	vmov s2;
	s2 =	sor.u32 $0x17, s25  }
0x99: {  	v28 =	vmov s0;
	[sflag:s16] =	ssyncadd.s32 $0xFFFF8000;
	s25 =	simm.s32 $0x0;
	v31 =	vmov s31;
	v24 =	vmov s2;
	s2 =	simm.s32 $0x0  }
.LBB2_7:
0x9a: {  	s0 =	sand.u32 $0x70, s2;
	s3 =	sand.u32 $0x1C00, s25  }
0x9b: {  	v34 =	vld [tilespmem:s26+$0x0];
	s0 =	sor.u32 s0, s3  }
0x9c: {  	v35 =	vld [tilespmem:s0+$0x8000];
	_ =	sdelay $0x1  }
0x9d: {  	v36 =	vld [tilespmem:s0+$0x8080];
	_ =	sdelay $0x1  }
0x9e: {  	v38 =	vld [tilespmem:s0+$0x8100];
	vm0 =	veq.s32 v34, v25  }
0x9f: {  	vm10 =	veq.s32 v34, v2;
	vm1 =	veq.s32 v34, v3;
	v37 =	vmul.f32 $1.442695020e+00, v35  }
0xa0: {  	v39 =	vld [tilespmem:s0+$0x8180];
	vm11 =	veq.s32 v34, v4;
	vm12 =	veq.s32 v34, v5;
	vm13 =	veq.s32 v34, v6  }
0xa1: {  	v42 =	vld [tilespmem:s0+$0x8200];
	vm14 =	veq.s32 v34, v7;
	v50 =	vmul.f32 $1.442695020e+00, v36;
	(erf) = vpow2.f32 v37  }
0xa2: {  	v43 =	vld [tilespmem:s30+$0x0];
	s31 =	sor.u32 s25, s2;
	vm15 =	veq.s32 v34, v8;
	vm4 =	veq.s32 v34, v9;
	vm5 =	veq.s32 v34, v10  }
0xa3: {  	s3 =	sor.u32 $0x380, s31;
	v45 =	vld [tilespmem:s0+$0x8280];
	vm6 =	veq.s32 v34, v11;
	v51 =	vmul.f32 $1.442695020e+00, v38;
	(erf) = vpow2.f32 v50  }
0xa4: {  	v47 =	vld [tilespmem:s3+$0x8000];
	vm7 =	veq.s32 v34, v12;
	vm8 =	veq.s32 v34, v13;
	vm9 =	veq.s32 v34, v14  }
0xa5: {  	v41 =	vld [tilespmem:s29+$0x0];
	v52 =	vmul.f32 $1.442695020e+00, v39;
	v44 =	vnsel vm0, $0x0, v35;
	(erf) = vpow2.f32 v51  }
0xa6: {  	v40 =	vld [tilespmem:s28+$0x0];
	v35 =	vsel vm0, $0xFF61B1E6, v35;
	v54 =	vmul.f32 $1.442695020e+00, v42;
	v55 =	vnsel vm10, $0x0, v36  }
0xa7: {  	v36 =	vsel vm10, $0xFF61B1E6, v36;
	v57 =	vnsel vm1, $0x0, v38;
	(erf) = vpow2.f32 v52  }
0xa8: {  	v46 =	vmul.f32 $1.442695020e+00, v45;
	v38 =	vsel vm1, $0xFF61B1E6, v38;
	v35 =	vmax.f32 v43, v35;
	v43 =	vld [tilespmem:s0+$0x8300]  }
0xa9: {  	v61 =	vnsel vm11, $0x0, v39;
	v63 =	vsel vm11, $0xFF61B1E6, v39;
	v48 =	vmul.f32 $1.442695020e+00, v47  }
0xaa: {  	v49 =	vnsel vm12, $0x0, v42;
	vm10 =	veq.s32 v34, v15;
	v41 =	vadd.f32 v44, v41;
	v53 =	vpop (erf)  }
0xab: {  	v35 =	vmax.f32 v35, v36;
	(erf) = vpow2.f32 v54;
	v37 =	vadd.f32 v53, v40  }
0xac: {  	v39 =	vld [tilespmem:s0+$0xA080];
	vm11 =	veq.s32 v34, v16;
	v35 =	vmax.f32 v35, v38;
	v40 =	vadd.f32 v55, v41;
	v56 =	vpop (erf)  }
0xad: {  	v44 =	vld [tilespmem:s0+$0xA000];
	v50 =	vsel vm12, $0xFF61B1E6, v42;
	v62 =	vmul.f32 $1.442695020e+00, v43;
	v58 =	vadd.f32 v56, v37  }
0xae: {  	v42 =	vld [tilespmem:s0+$0xA180];
	vm12 =	veq.s32 v34, v17;
	(erf) = vpow2.f32 v46;
	v60 =	vpop (erf);
	v59 =	vadd.f32 v57, v40  }
0xaf: {  	v35 =	vmax.f32 v35, v63;
	(erf) = vpow2.f32 v62;
	v36 =	vadd.f32 v60, v58  }
0xb0: {  	v52 =	vnsel vm13, $0x0, v45;
	v35 =	vmax.f32 v35, v50;
	v46 =	vpop (erf);
	v37 =	vadd.f32 v61, v59  }
0xb1: {  	v50 =	vnsel vm5, $0x0, v39;
	(erf) = vpow2.f32 v48;
	v36 =	vadd.f32 v46, v36;
	v46 =	vld [tilespmem:s0+$0xA100]  }
0xb2: {  	v54 =	vsel vm13, $0xFF61B1E6, v45;
	v53 =	vmul.f32 $1.442695020e+00, v44;
	v37 =	vadd.f32 v49, v37  }
0xb3: {  	vm13 =	veq.s32 v34, v18;
	v35 =	vmax.f32 v35, v54;
	v45 =	vmul.f32 $1.442695020e+00, v42  }
0xb4: {  	v62 =	vsel vm15, $0xFF61B1E6, v47;
	v51 =	vpop (erf);
	(erf) = vpow2.f32 v53;
	v37 =	vadd.f32 v52, v37  }
0xb5: {  	v56 =	vnsel vm14, $0x0, v43;
	v57 =	vmul.f32 $1.442695020e+00, v39;
	v48 =	vsel vm4, $0xFF61B1E6, v44  }
0xb6: {  	v58 =	vsel vm14, $0xFF61B1E6, v43;
	v43 =	vld [tilespmem:s0+$0xA200];
	v37 =	vadd.f32 v56, v37;
	v59 =	vmul.f32 $1.442695020e+00, v46  }
0xb7: {  	v61 =	vnsel vm15, $0x0, v47;
	v47 =	vnsel vm4, $0x0, v44;
	v55 =	vpop (erf);
	(erf) = vpow2.f32 v57  }
0xb8: {  	v40 =	vld [tilespmem:s0+$0xA280];
	v35 =	vmax.f32 v35, v58;
	v60 =	vpop (erf);
	v37 =	vadd.f32 v61, v37;
	(erf) = vpow2.f32 v59  }
0xb9: {  	vm14 =	veq.s32 v34, v19;
	vm15 =	veq.s32 v34, v20;
	v35 =	vmax.f32 v35, v62  }
0xba: {  	v35 =	vmax.f32 v35, v48;
	v63 =	vpop (erf);
	v37 =	vadd.f32 v47, v37;
	(erf) = vpow2.f32 v45;
	v47 =	vld [tilespmem:s0+$0xA300]  }
0xbb: {  	v36 =	vadd.f32 v51, v36;
	v52 =	vsel vm5, $0xFF61B1E6, v39;
	v51 =	vmul.f32 $1.442695020e+00, v43  }
0xbc: {  	vm4 =	veq.s32 v34, v21;
	v39 =	vld [tilespmem:s0+$0xA380];
	vm5 =	veq.s32 v34, v22;
	v35 =	vmax.f32 v35, v52  }
0xbd: {  	v36 =	vadd.f32 v55, v36;
	v55 =	vmul.f32 $1.442695020e+00, v40;
	v49 =	vpop (erf);
	(erf) = vpow2.f32 v51  }
0xbe: {  	v41 =	vld [tilespmem:s0+$0xC180];
	v54 =	vnsel vm6, $0x0, v46;
	v56 =	vsel vm6, $0xFF61B1E6, v46;
	v46 =	vsel vm8, $0xFF61B1E6, v43  }
0xbf: {  	vm6 =	veq.s32 v34, v23;
	v36 =	vadd.f32 v60, v36;
	v45 =	vld [tilespmem:s0+$0xC000];
	v58 =	vmul.f32 $1.442695020e+00, v47  }
0xc0: {  	v35 =	vmax.f32 v35, v56;
	v60 =	vsel vm7, $0xFF61B1E6, v42;
	v53 =	vpop (erf);
	(erf) = vpow2.f32 v55  }
0xc1: {  	v61 =	vmul.f32 $1.442695020e+00, v39;
	v36 =	vadd.f32 v63, v36;
	v57 =	vpop (erf);
	(erf) = vpow2.f32 v58  }
0xc2: {  	v38 =	vld [tilespmem:s0+$0xC080];
	v59 =	vnsel vm7, $0x0, v42;
	v35 =	vmax.f32 v35, v60;
	v56 =	vnsel vm11, $0x0, v39  }
0xc3: {  	v42 =	vld [tilespmem:s0+$0xC100];
	v39 =	vsel vm11, $0xFF61B1E6, v39;
	v36 =	vadd.f32 v49, v36;
	v62 =	vpop (erf);
	(erf) = vpow2.f32 v61  }
0xc4: {  	v60 =	vmul.f32 $1.442695020e+00, v41;
	vm7 =	veq.s32 v34, v24;
	v48 =	vmul.f32 $1.442695020e+00, v45  }
0xc5: {  	v35 =	vmax.f32 v35, v46;
	v37 =	vadd.f32 v50, v37;
	v36 =	vadd.f32 v53, v36  }
0xc6: {  	v50 =	vnsel vm9, $0x0, v40;
	v40 =	vsel vm9, $0xFF61B1E6, v40;
	v49 =	vpop (erf);
	(erf) = vpow2.f32 v48  }
0xc7: {  	v63 =	vnsel vm8, $0x0, v43;
	v35 =	vmax.f32 v35, v40;
	v36 =	vadd.f32 v57, v36  }
0xc8: {  	v43 =	vld [tilespmem:s0+$0xC200];
	v37 =	vadd.f32 v54, v37;
	v55 =	vmul.f32 $1.442695020e+00, v42;
	v53 =	vmul.f32 $1.442695020e+00, v38  }
0xc9: {  	v52 =	vnsel vm10, $0x0, v47;
	v54 =	vsel vm10, $0xFF61B1E6, v47;
	v36 =	vadd.f32 v62, v36;
	v51 =	vpop (erf)  }
0xca: {  	v37 =	vadd.f32 v59, v37;
	v35 =	vmax.f32 v35, v54;
	v44 =	vpop (erf);
	(erf) = vpow2.f32 v53  }
0xcb: {  	v59 =	vsel vm12, $0xFF61B1E6, v45;
	v35 =	vmax.f32 v35, v39;
	v36 =	vadd.f32 v49, v36  }
0xcc: {  	v37 =	vadd.f32 v63, v37;
	v58 =	vnsel vm12, $0x0, v45;
	v45 =	vld [tilespmem:s0+$0xC280];
	v57 =	vpop (erf);
	(erf) = vpow2.f32 v55  }
0xcd: {  	v35 =	vmax.f32 v35, v59;
	v63 =	vmul.f32 $1.442695020e+00, v43;
	v36 =	vadd.f32 v51, v36  }
0xce: {  	v39 =	vld [tilespmem:s0+$0xC300];
	v37 =	vadd.f32 v50, v37;
	v62 =	vnsel vm13, $0x0, v38;
	v38 =	vsel vm13, $0xFF61B1E6, v38  }
0xcf: {  	v35 =	vmax.f32 v35, v38;
	v38 =	vld [tilespmem:s0+$0xC380];
	v36 =	vadd.f32 v44, v36;
	v61 =	vpop (erf);
	(erf) = vpow2.f32 v60  }
0xd0: {  	vm11 =	veq.s32 v34, v29;
	vm8 =	veq.s32 v34, v26;
	v37 =	vadd.f32 v52, v37  }
0xd1: {  	v50 =	vmul.f32 $1.442695020e+00, v45;
	v36 =	vadd.f32 v57, v36;
	(erf) = vpow2.f32 v63  }
0xd2: {  	v49 =	vnsel vm14, $0x0, v42;
	v37 =	vadd.f32 v56, v37;
	v51 =	vsel vm14, $0xFF61B1E6, v42;
	v42 =	vld [tilespmem:s0+$0xE000]  }
0xd3: {  	v46 =	vld [tilespmem:s0+$0xE080];
	v53 =	vmul.f32 $1.442695020e+00, v39;
	v36 =	vadd.f32 v61, v36;
	v48 =	vpop (erf);
	(erf) = vpow2.f32 v50  }
0xd4: {  	v54 =	vnsel vm15, $0x0, v41;
	v37 =	vadd.f32 v58, v37;
	v55 =	vmul.f32 $1.442695020e+00, v38  }
0xd5: {  	v41 =	vsel vm15, $0xFF61B1E6, v41;
	v36 =	vadd.f32 v48, v36;
	v52 =	vpop (erf);
	(erf) = vpow2.f32 v53  }
0xd6: {  	v47 =	vld [tilespmem:s0+$0xE100];
	v59 =	vsel vm4, $0xFF61B1E6, v43;
	v37 =	vadd.f32 v62, v37;
	(erf) = vpow2.f32 v55  }
0xd7: {  	v35 =	vmax.f32 v35, v51;
	v58 =	vmul.f32 $1.442695020e+00, v42;
	v36 =	vadd.f32 v52, v36  }
0xd8: {  	v60 =	vmul.f32 $1.442695020e+00, v46;
	v37 =	vadd.f32 v49, v37;
	v57 =	vnsel vm4, $0x0, v43;
	v43 =	vld [tilespmem:s0+$0xE180];
	v56 =	vpop (erf)  }
0xd9: {  	v35 =	vmax.f32 v35, v41;
	(erf) = vpow2.f32 v58;
	v36 =	vadd.f32 v56, v36  }
0xda: {  	v40 =	vld [tilespmem:s0+$0xE200];
	v35 =	vmax.f32 v35, v59;
	v37 =	vadd.f32 v54, v37;
	v61 =	vpop (erf);
	(erf) = vpow2.f32 v60  }
0xdb: {  	v44 =	vld [tilespmem:s0+$0xE280];
	v63 =	vsel vm5, $0xFF61B1E6, v45;
	v49 =	vmul.f32 $1.442695020e+00, v47;
	v36 =	vadd.f32 v61, v36  }
0xdc: {  	v62 =	vnsel vm5, $0x0, v45;
	v35 =	vmax.f32 v35, v63;
	v37 =	vadd.f32 v57, v37;
	v48 =	vpop (erf)  }
0xdd: {  	v41 =	vld [tilespmem:s0+$0xE300];
	v52 =	vmul.f32 $1.442695020e+00, v43;
	(erf) = vpow2.f32 v49;
	v36 =	vadd.f32 v48, v36  }
0xde: {  	v37 =	vadd.f32 v62, v37;
	v50 =	vnsel vm6, $0x0, v39;
	v39 =	vsel vm6, $0xFF61B1E6, v39;
	v51 =	vpop (erf)  }
0xdf: {  	v53 =	vmul.f32 $1.442695020e+00, v40;
	v49 =	vpop (erf);
	(erf) = vpow2.f32 v52;
	v36 =	vadd.f32 v51, v36  }
0xe0: {  	v35 =	vmax.f32 v35, v39;
	v39 =	vld [tilespmem:s0+$0xE380];
	v37 =	vadd.f32 v50, v37;
	v55 =	vmul.f32 $1.442695020e+00, v44  }
0xe1: {  	v48 =	vnsel vm7, $0x0, v38;
	(erf) = vpow2.f32 v53;
	v36 =	vadd.f32 v49, v36  }
0xe2: {  	vm9 =	veq.s32 v34, v27;
	v58 =	vmul.f32 $1.442695020e+00, v41;
	v37 =	vadd.f32 v48, v37;
	v54 =	vpop (erf)  }
0xe3: {  	v56 =	vnsel vm8, $0x0, v42;
	v57 =	vpop (erf);
	(erf) = vpow2.f32 v55;
	v36 =	vadd.f32 v54, v36  }
0xe4: {  	vm10 =	veq.s32 v34, v28;
	v59 =	vnsel vm9, $0x0, v46;
	v37 =	vadd.f32 v56, v37  }
0xe5: {  	v60 =	vmul.f32 $1.442695020e+00, v39;
	(erf) = vpow2.f32 v58;
	v36 =	vadd.f32 v57, v36  }
0xe6: {  	vm15 =	veq.s32 v34, v33;
	vm12 =	veq.s32 v34, v30;
	v37 =	vadd.f32 v59, v37;
	v61 =	vpop (erf)  }
0xe7: {  	v62 =	vnsel vm10, $0x0, v47;
	(erf) = vpow2.f32 v60;
	v36 =	vadd.f32 v61, v36  }
0xe8: {  	vm13 =	veq.s32 v34, v31;
	vm14 =	veq.s32 v34, v32;
	v37 =	vadd.f32 v62, v37;
	v63 =	vpop (erf)  }
0xe9: {  	v38 =	vsel vm7, $0xFF61B1E6, v38;
	v49 =	vnsel vm11, $0x0, v43;
	v36 =	vadd.f32 v63, v36  }
0xea: {  	v42 =	vsel vm8, $0xFF61B1E6, v42;
	v35 =	vmax.f32 v35, v38;
	v37 =	vadd.f32 v49, v37;
	v50 =	vpop (erf)  }
0xeb: {  	v48 =	vsel vm9, $0xFF61B1E6, v46;
	v52 =	vnsel vm12, $0x0, v40;
	v36 =	vadd.f32 v50, v36  }
0xec: {  	v35 =	vmax.f32 v35, v42;
	v51 =	vsel vm10, $0xFF61B1E6, v47;
	v37 =	vadd.f32 v52, v37;
	v53 =	vpop (erf)  }
0xed: {  	v35 =	vmax.f32 v35, v48;
	v55 =	vnsel vm13, $0x0, v44;
	v36 =	vadd.f32 v53, v36  }
0xee: {  	v40 =	vsel vm12, $0xFF61B1E6, v40;
	v35 =	vmax.f32 v35, v51;
	v56 =	vpop (erf);
	v37 =	vadd.f32 v55, v37  }
0xef: {  	v54 =	vsel vm11, $0xFF61B1E6, v43;
	v57 =	vnsel vm14, $0x0, v41;
	v36 =	vadd.f32 v56, v36  }
0xf0: {  	p0 =	sne.s32 s2, $0x3F0;
	v58 =	vsel vm13, $0xFF61B1E6, v44;
	v35 =	vmax.f32 v35, v54;
	v37 =	vadd.f32 v57, v37;
	v59 =	vpop (erf)  }
.Ltmp2:
0xf1: {  	v35 =	vmax.f32 v35, v40;
	v60 =	vnsel vm15, $0x0, v39;
	v34 =	vadd.f32 v59, v36;
	(pc) =	sbr.rel @p0 .LBB2_7-.Ltmp2, $4  }
0xf2: {  	v35 =	vmax.f32 v35, v58;
	v61 =	vsel vm14, $0xFF61B1E6, v41;
	v36 =	vadd.f32 v60, v37  }
0xf3: {  	v62 =	vsel vm15, $0xFF61B1E6, v39;
	v35 =	vmax.f32 v35, v61;
	[tilespmem:s28+$0x0] =	vst v34  }
0xf4: {  	s25 =	sadd.s32 $0x80, s25;
	s26 =	sadd.s32 $0x10, s26;
	s2 =	sadd.s32 $0x10, s2;
	v63 =	vmax.f32 v35, v62;
	[tilespmem:s29+$0x0] =	vst v36  }
0xf5: {  	s28 =	sadd.s32 $0x10, s28;
	s29 =	sadd.s32 $0x10, s29;
	[tilespmem:s30+$0x0] =	vst v63;
	s30 =	sadd.s32 $0x10, s30  }
0xf6: {  	s24 =	sadd.s32 $0x1, s24  }
0xf7: {  	p0 =	sne.s32 s24, $0x13  }
.Ltmp3:
0xf8: {  	_ = 	snop;
	(pc) =	sbr.rel @p0 .LBB2_4-.Ltmp3, $1  }
0xf9: {  	_ =	sdelay $0x3  }
0xfa: {  	[hbm4b:s8+s17] =	stream.strided.scatter [tilespmem:s19], [sflag:$0x3], $0x400, s18, s17, $0x38;
	[tilespmem:$0x11000] =	vst v63  }
0xfb: {  	_ =	swait.ge [sflag:s13], $0x400  }
0xfc: {  	[sflag:s13] =	ssyncset.done $0x0  }
0xfd: {  	[sflag:s13] =	ssyncadd.s32 $0xFFFFFC00  }
0xfe: {  	[hbm4b:s9+s17] =	stream.strided.scatter [tilespmem:s20], [sflag:$0x3], $0x400, s18, s17, $0x38;
	[tilespmem:$0x11000] =	vst v63  }
0xff: {  	s22 =	sadd.s32 $0x1, s22;
	_ =	swait.ge [sflag:s13], $0x400  }
0x100: {  	p0 =	sne.s32 s22, s11;
	[sflag:s13] =	ssyncset.done $0x0  }
.Ltmp4:
0x101: {  	[sflag:s13] =	ssyncadd.s32 $0xFFFFFC00;
	(pc) =	sbr.rel @p0 .LBB2_1-.Ltmp4, $4  }
0x102: {  	[hbm4b:s10+s17] =	stream.strided.scatter [tilespmem:s21], [sflag:$0x3], $0x400, s18, s17, $0x38;
	[tilespmem:$0x11000] =	vst v63  }
0x103: {  	_ =	swait.ge [sflag:s13], $0x400  }
0x104: {  	[sflag:s13] =	ssyncset.done $0x0  }
0x105: {  	[sflag:s13] =	ssyncadd.s32 $0xFFFFFC00  }
0x106: {  	_ =	sfence.sel $0x180000  }
0x107: {  	[bflag:$0x0] =	sbarrier.arrive $0xFFFF  }
0x108: {  	_ =	strace $0x90000047  }
0x109: {  	s0 =	stileid.u32;
	[bflag:$0x2] =	sbarrier.arrive $0xFFFF  }
0x10a: {  	p0 =	sne.s32 s0, $0x0;
	s0 =	rddreg [dreg:$0x3]  }
0x10b: {  	s0 =	sadd.s32 @!p0 $0x100000, s0  }
0x10c: {  	[sflag:s0] =	ssyncadd.tile.s32 @!p0 $0x1;
	_ =	shalt  }
.Lfunc_end2:
_tile_overlayer_lowered:
.L_overlay_start_2:
0x10d: {  	(tag) =	ssettag $0x2  }
0x10e: {  	s0 =	rddreg [dreg:$0x0];
	s2 =	stileid.u32  }
0x10f: {  	s1 =	rddreg [dreg:$0x1];
	p0 =	sne.s32 s2, $0x0  }
0x110: {  	s3 =	rddreg [dreg:$0x2];
	[bflag:$0x3] =	sbarrier.arrive $0xFFFF;
	s2 =	simm.s32 @!p0 $0x1C03  }
0x111: {  	[timem:s3], [sflag:s2] =	dma.local @!p0 [hbm:s0], s1  }
0x112: {  	s0 =	simm.s32 @!p0 $0x3  }
0x113: {  	_ =	swait.ge @!p0 [sflag:s0], s1  }
0x114: {  	s1 =	ssub.s32 @!p0 $0x0, s1;
	[sflag:s0] =	ssyncset.done @!p0 $0x0  }
0x115: {  	[sflag:s0] =	ssyncadd.s32 @!p0 s1  }
0x116: {  	[bflag:$0x3] =	sbarrier.arrive $0xFFFF  }
0x117: {  	_ =	shalt  }

</sc_bundles>
